<compile_context>
chip_gen: v7x
topology: tpu7x:2x2x1
jax: 0.10.2.dev20260603
libtpu: 0.0.44.dev20260713+nightly
codegen_flags: <defaults>
</compile_context>

<pallas_src>
import functools

import jax
import jax.numpy as jnp
from jax import lax
from jax.experimental import pallas as pl
from jax.experimental.pallas import tpu as pltpu
from jax.experimental.pallas import tpu_sc as plsc

N = 10000
E = 320000
D = 128

NC = 2
NS = 16
NW = NC * NS
CHUNK = 128
NBW = (E + NW * CHUNK - 1) // (NW * CHUNK)
EPW = NBW * CHUNK
E_PAD = EPW * NW
ACC_ROWS = 10240
ZROWS = 64
ROWS_PER_TILE = ACC_ROWS // NS


def _spmm_sc(h, src_p, dst_p):
  mesh = plsc.VectorSubcoreMesh(core_axis_name="c", subcore_axis_name="s")

  @functools.partial(
      pl.kernel,
      out_type=jax.ShapeDtypeStruct((NC, ACC_ROWS, D), jnp.float32),
      mesh=mesh,
      scratch_types=[
          pltpu.VMEM((CHUNK,), jnp.int32),
          pltpu.VMEM((CHUNK,), jnp.int32),
          pltpu.VMEM((CHUNK, D), jnp.float32),
          pltpu.VMEM((ZROWS, D), jnp.float32),
          pltpu.VMEM_SHARED((ACC_ROWS, D), jnp.float32),
          pltpu.SemaphoreType.DMA,
      ],
  )
  def k(h_hbm, src_hbm, dst_hbm, out_hbm, sidx, didx, rows, zbuf, acc, sem):
    cid = lax.axis_index("c")
    sid = lax.axis_index("s")

    zero = jnp.zeros((16,), jnp.float32)

    def zrow(i, _):
      zbuf[i // (D // 16), pl.ds((i % (D // 16)) * 16, 16)] = zero
      return 0

    lax.fori_loop(0, ZROWS * (D // 16), zrow, 0)

    def zacc(j, _):
      pltpu.sync_copy(zbuf, acc.at[pl.ds(sid * ROWS_PER_TILE + j * ZROWS, ZROWS)])
      return 0

    lax.fori_loop(0, ROWS_PER_TILE // ZROWS, zacc, 0)
    plsc.subcore_barrier()

    wid = sid * NC + cid
    base = wid * EPW

    def body(i, _):
      off = pl.multiple_of(base + i * CHUNK, CHUNK)
      pltpu.sync_copy(src_hbm.at[pl.ds(off, CHUNK)], sidx)
      pltpu.sync_copy(dst_hbm.at[pl.ds(off, CHUNK)], didx)
      pltpu.async_copy(h_hbm.at[sidx], rows, sem).wait()
      pltpu.sync_copy(rows, acc.at[didx], add=True)
      return 0

    lax.fori_loop(0, NBW, body, 0)
    plsc.subcore_barrier()

    pltpu.sync_copy(acc.at[pl.ds(sid * ROWS_PER_TILE, ROWS_PER_TILE)],
                    out_hbm.at[cid, pl.ds(sid * ROWS_PER_TILE, ROWS_PER_TILE)])

  return k(h, src_p, dst_p)


_BLK = 1000


def _lin1_body(x_ref, w_ref, b_ref, o_ref):
  o_ref[...] = lax.dot_general(
      x_ref[...], w_ref[...], (((1,), (1,)), ((), ())),
      preferred_element_type=jnp.float32) + b_ref[...]


def _lin2_body(p0_ref, p1_ref, w_ref, b_ref, o_ref):
  z = jnp.maximum(p0_ref[...] + p1_ref[...], 0.0)
  o_ref[...] = lax.dot_general(
      z, w_ref[...], (((1,), (1,)), ((), ())),
      preferred_element_type=jnp.float32) + b_ref[...]


def _add_body(a_ref, b_ref, o_ref):
  o_ref[...] = a_ref[...] + b_ref[...]


def _linear1(x, W, b):
  return pl.pallas_call(
      _lin1_body,
      grid=(N // _BLK,),
      in_specs=[
          pl.BlockSpec((_BLK, D), lambda i: (i, 0)),
          pl.BlockSpec((D, D), lambda i: (0, 0)),
          pl.BlockSpec((1, D), lambda i: (0, 0)),
      ],
      out_specs=pl.BlockSpec((_BLK, D), lambda i: (i, 0)),
      out_shape=jax.ShapeDtypeStruct((N, D), jnp.float32),
  )(x, W, b)


def _linear2(p0, p1, W, b):
  return pl.pallas_call(
      _lin2_body,
      grid=(N // _BLK,),
      in_specs=[
          pl.BlockSpec((_BLK, D), lambda i: (i, 0)),
          pl.BlockSpec((_BLK, D), lambda i: (i, 0)),
          pl.BlockSpec((D, D), lambda i: (0, 0)),
          pl.BlockSpec((1, D), lambda i: (0, 0)),
      ],
      out_specs=pl.BlockSpec((_BLK, D), lambda i: (i, 0)),
      out_shape=jax.ShapeDtypeStruct((N, D), jnp.float32),
  )(p0, p1, W, b)


def _add(a, b):
  return pl.pallas_call(
      _add_body,
      grid=(N // _BLK,),
      in_specs=[
          pl.BlockSpec((_BLK, D), lambda i: (i, 0)),
          pl.BlockSpec((_BLK, D), lambda i: (i, 0)),
      ],
      out_specs=pl.BlockSpec((_BLK, D), lambda i: (i, 0)),
      out_shape=jax.ShapeDtypeStruct((N, D), jnp.float32),
  )(a, b)


def kernel(x, edge_index, W1, b1, W2, b2):
  dst = edge_index[0]
  src = edge_index[1]
  pad = E_PAD - E
  src_p = jnp.concatenate([src, jnp.zeros((pad,), jnp.int32)])
  dst_p = jnp.concatenate([dst, jnp.full((pad,), N, jnp.int32)])
  b1r = b1.reshape(1, D)
  b2r = b2.reshape(1, D)

  h1 = _linear1(x, W1, b1r)
  P1 = _spmm_sc(h1, src_p, dst_p)
  h2 = _linear2(P1[0], P1[1], W2, b2r)
  P2 = _spmm_sc(h2, src_p, dst_p)
  return _add(P2[0], P2[1])

# --- scband reference (transcript-rebuilt; emitter-appended) ---
"""Pipeline reference for scband-network-27599459844593 (READ-ONLY COPY).

The authoritative reference and input builder live on the scoring server;
editing this copy changes nothing except your own understanding.
"""

import jax, jax.numpy as jnp
import numpy as np

N = 10000
E = 320000
D = 128


def setup_inputs(seed: int = 0) -> dict:
    key = jax.random.key(seed)
    k1, k2, k3, k4, k5, k6 = jax.random.split(key, 6)
    x = jax.random.normal(k1, (N, D), dtype=jnp.float32)
    # edge_index: row 0 = destination (row of adjacency), row 1 = source (column)
    edge_index = jax.random.randint(k2, (2, E), 0, N, dtype=jnp.int32)
    scale = 1.0 / np.sqrt(D)
    W1 = jax.random.uniform(k3, (D, D), dtype=jnp.float32, minval=-scale, maxval=scale)
    b1 = jax.random.uniform(k4, (D,), dtype=jnp.float32, minval=-scale, maxval=scale)
    W2 = jax.random.uniform(k5, (D, D), dtype=jnp.float32, minval=-scale, maxval=scale)
    b2 = jax.random.uniform(k6, (D,), dtype=jnp.float32, minval=-scale, maxval=scale)
    return {"x": x, "edge_index": edge_index, "W1": W1, "b1": b1, "W2": W2, "b2": b2}


def reference(x, edge_index, W1, b1, W2, b2):
    # spmm(a, h): a is the (implicitly binary) sparse adjacency given by edge_index.
    # out[i] = sum over edges (i, j) of h[j]  -> gather from src, scatter-add to dst.
    dst = edge_index[0]
    src = edge_index[1]

    def spmm(h):
        msgs = jnp.take(h, src, axis=0)
        return jax.ops.segment_sum(msgs, dst, num_segments=N)

    z = x
    # layer 1 (all but last): activation(spmm(a, linear(z)))
    z = jax.nn.relu(spmm(z @ W1.T + b1))
    # last layer: spmm(a, linear(z)) with no activation
    z = spmm(z @ W2.T + b2)
    return z

if __name__ == "__main__":
    import jax
    _d = setup_inputs()
    print(jax.jit(kernel)(*tuple(_d.values())))

</pallas_src>

<mosaic_0001>
#map = affine_map<(d0, d1) -> (0, 0)>
#map1 = affine_map<(d0, d1) -> (0)>
#map2 = affine_map<(d0, d1) -> (0, 0, 0)>
module attributes {stable_mosaic.version = 14 : i64} {
  func.func @k(%arg0: i32, %arg1: i32, %arg2: memref<10000x128xf32, #tpu.memory_space<hbm>>, %arg3: memref<323584xi32, #tpu.memory_space<hbm>>, %arg4: memref<323584xi32, #tpu.memory_space<hbm>>, %arg5: memref<2x10240x128xf32, #tpu.memory_space<hbm>>, %arg6: memref<128xi32, #tpu.memory_space<vmem>>, %arg7: memref<128xi32, #tpu.memory_space<vmem>>, %arg8: memref<128x128xf32, #tpu.memory_space<vmem>>, %arg9: memref<64x128xf32, #tpu.memory_space<vmem>>, %arg10: memref<10240x128xf32, #tpu.memory_space<vmem_shared>>, %arg11: memref<!tpu.dma_semaphore, #tpu.memory_space<semaphore_mem>>) attributes {dimension_semantics = [#tpu.dimension_semantics<core_parallel>, #tpu.dimension_semantics<subcore_parallel>], iteration_bounds = array<i64: 2, 16>, scalar_prefetch = 0 : i64, scratch_operands = 6 : i64, tpu.core_type = #tpu.core_type<sc_vector_subcore>, window_params = [{transform_indices = #map}, {transform_indices = #map1}, {transform_indices = #map1}, {transform_indices = #map2}]} {
    %broadcast_in_dim3A = arith.constant 0.000000e+00 : f32
    %broadcast_in_dim3A_0 = vector.broadcast %broadcast_in_dim3A : f32 to vector<16xf32>
    %scan3A = arith.constant 0 : i32
    %scan3A_1 = arith.constant 0 : i32
    %scan3A_2 = arith.constant 512 : i32
    %scan3A_3 = arith.addi %scan3A_1, %scan3A_2 : i32
    %scan3A_4 = arith.constant 1 : i32
    %scan3A_5 = scf.for %scan3A_29 = %scan3A_1 to %scan3A_3 step %scan3A_4 iter_args(%scan3A_30 = %scan3A) -> (i32)  : i32 {
      %jit3A = arith.constant 8 : i32
      %div3A = arith.divsi %scan3A_29, %jit3A : i32
      %sign3A = arith.constant 0 : i32
      %sign3A_31 = arith.cmpi sgt, %scan3A_29, %sign3A : i32
      %sign3A_32 = arith.extui %sign3A_31 : i1 to i32
      %sign3A_33 = arith.constant 0 : i32
      %sign3A_34 = arith.cmpi slt, %scan3A_29, %sign3A_33 : i32
      %sign3A_35 = arith.extui %sign3A_34 : i1 to i32
      %sign3A_36 = arith.subi %sign3A_32, %sign3A_35 : i32
      %sign3A_37 = arith.constant 0 : i32
      %sign3A_38 = arith.cmpi sgt, %jit3A, %sign3A_37 : i32
      %sign3A_39 = arith.extui %sign3A_38 : i1 to i32
      %sign3A_40 = arith.constant 0 : i32
      %sign3A_41 = arith.cmpi slt, %jit3A, %sign3A_40 : i32
      %sign3A_42 = arith.extui %sign3A_41 : i1 to i32
      %sign3A_43 = arith.subi %sign3A_39, %sign3A_42 : i32
      %ne3A = arith.cmpi ne, %sign3A_36, %sign3A_43 : i32
      %rem3A = arith.remsi %scan3A_29, %jit3A : i32
      %ne3A_44 = arith.constant 0 : i32
      %ne3A_45 = arith.cmpi ne, %rem3A, %ne3A_44 : i32
      %and3A = arith.andi %ne3A, %ne3A_45 : i1
      %sub3A = arith.constant 1 : i32
      %sub3A_46 = arith.subi %div3A, %sub3A : i32
      %select_n3A = arith.select %and3A, %sub3A_46, %div3A : i32
      %jit3A_47 = arith.constant 8 : i32
      %eq3A = arith.constant 0 : i32
      %eq3A_48 = arith.cmpi eq, %jit3A_47, %eq3A : i32
      %jit3A_49 = arith.constant 1 : i32
      %select_n3A_50 = arith.select %eq3A_48, %jit3A_49, %jit3A_47 : i32
      %rem3A_51 = arith.remsi %scan3A_29, %select_n3A_50 : i32
      %ne3A_52 = arith.constant 0 : i32
      %ne3A_53 = arith.cmpi ne, %rem3A_51, %ne3A_52 : i32
      %lt3A = arith.constant 0 : i32
      %lt3A_54 = arith.cmpi slt, %rem3A_51, %lt3A : i32
      %lt3A_55 = arith.constant 0 : i32
      %lt3A_56 = arith.cmpi slt, %select_n3A_50, %lt3A_55 : i32
      %ne3A_57 = arith.xori %lt3A_54, %lt3A_56 : i1
      %and3A_58 = arith.andi %ne3A_57, %ne3A_53 : i1
      %add3A_59 = arith.addi %rem3A_51, %select_n3A_50 : i32
      %select_n3A_60 = arith.select %and3A_58, %add3A_59, %rem3A_51 : i32
      %mul3A_61 = arith.constant 16 : i32
      %mul3A_62 = arith.muli %select_n3A_60, %mul3A_61 : i32
      %swap3A = arith.index_cast %select_n3A : i32 to index
      %swap3A_63 = arith.index_cast %mul3A_62 : i32 to index
      %swap3A_64 = tpu.vector_load %arg9[%swap3A, %swap3A_63] {strides = array<i32>} : memref<64x128xf32, #tpu.memory_space<vmem>>, vector<1x16xf32>,
      %swap3A_65 = vector.shape_cast %swap3A_64 : vector<1x16xf32> to vector<16xf32>
      %swap3A_66 = vector.shape_cast %broadcast_in_dim3A_0 : vector<16xf32> to vector<1x16xf32>
      tpu.vector_store %arg9[%swap3A, %swap3A_63], %swap3A_66 {strides = array<i32>} : memref<64x128xf32, #tpu.memory_space<vmem>>, vector<1x16xf32>,
      %scan3A_67 = arith.constant 0 : i32
      scf.yield %scan3A_67 : i32
    }
    %scan3A_6 = arith.constant 512 : i32
    %scan3A_7 = arith.constant 0 : i32
    %scan3A_8 = arith.constant 0 : i32
    %scan3A_9 = arith.constant 10 : i32
    %scan3A_10 = arith.addi %scan3A_8, %scan3A_9 : i32
    %scan3A_11 = arith.constant 1 : i32
    %scan3A_12 = scf.for %scan3A_29 = %scan3A_8 to %scan3A_10 step %scan3A_11 iter_args(%scan3A_30 = %scan3A_7) -> (i32)  : i32 {
      %mul3A_31 = arith.constant 640 : i32
      %mul3A_32 = arith.muli %arg1, %mul3A_31 : i32
      %mul3A_33 = arith.constant 64 : i32
      %mul3A_34 = arith.muli %scan3A_29, %mul3A_33 : i32
      %add3A_35 = arith.addi %mul3A_32, %mul3A_34 : i32
      "tpu.region"() ({
        %run_scoped3A = tpu.sem_alloc : memref<!tpu.dma_semaphore, #tpu.memory_space<semaphore_mem>>
        %dma_start3A = arith.constant 0 : i32
        %dma_start3A_37 = tpu.memref_slice %arg10[%add3A_35, %dma_start3A] : memref<10240x128xf32, #tpu.memory_space<vmem_shared>> -> memref<64x128xf32, #tpu.memory_space<vmem_shared>>
        %dma_start3A_38 = arith.constant 0 : i32
        %dma_start3A_39 = tpu.memref_slice %arg10[%add3A_35, %dma_start3A_38] : memref<10240x128xf32, #tpu.memory_space<vmem_shared>> -> memref<64x128xf32, #tpu.memory_space<vmem_shared>>
        tpu.enqueue_dma source(%arg9 : memref<64x128xf32, #tpu.memory_space<vmem>>) target(%dma_start3A_39 : memref<64x128xf32, #tpu.memory_space<vmem_shared>>) target_semaphore(%run_scoped3A : memref<!tpu.dma_semaphore, #tpu.memory_space<semaphore_mem>>)
        %dma_wait3A = arith.constant 0 : i32
        %dma_wait3A_40 = tpu.memref_slice %arg10[%add3A_35, %dma_wait3A] : memref<10240x128xf32, #tpu.memory_space<vmem_shared>> -> memref<64x128xf32, #tpu.memory_space<vmem_shared>>
        %dma_wait3A_41 = arith.constant 0 : i32
        %dma_wait3A_42 = tpu.memref_slice %arg10[%add3A_35, %dma_wait3A_41] : memref<10240x128xf32, #tpu.memory_space<vmem_shared>> -> memref<64x128xf32, #tpu.memory_space<vmem_shared>>
        tpu.wait_dma2 semaphore(%run_scoped3A : memref<!tpu.dma_semaphore, #tpu.memory_space<semaphore_mem>>) src(%arg9 : memref<64x128xf32, #tpu.memory_space<vmem>>) dst(%dma_wait3A_42 : memref<64x128xf32, #tpu.memory_space<vmem_shared>>)
        tpu.yield
      }) : () -> ()
      %scan3A_36 = arith.constant 0 : i32
      scf.yield %scan3A_36 : i32
    }
    %scan3A_13 = arith.constant 10 : i32
    %barrier3A = arith.constant 0 : index
    tpu.barrier barrier_id(%barrier3A)
    %mul3A = arith.constant 2 : i32
    %mul3A_14 = arith.muli %arg1, %mul3A : i32
    %add3A = arith.addi %mul3A_14, %arg0 : i32
    %mul3A_15 = arith.constant 10112 : i32
    %mul3A_16 = arith.muli %add3A, %mul3A_15 : i32
    %scan3A_17 = arith.constant 0 : i32
    %scan3A_18 = arith.constant 0 : i32
    %scan3A_19 = arith.constant 79 : i32
    %scan3A_20 = arith.addi %scan3A_18, %scan3A_19 : i32
    %scan3A_21 = arith.constant 1 : i32
    %scan3A_22 = scf.for %scan3A_29 = %scan3A_18 to %scan3A_20 step %scan3A_21 iter_args(%scan3A_30 = %scan3A_17) -> (i32)  : i32 {
      %mul3A_31 = arith.constant 128 : i32
      %mul3A_32 = arith.muli %scan3A_29, %mul3A_31 : i32
      %add3A_33 = arith.addi %mul3A_16, %mul3A_32 : i32
      %multiple_of3A = tpu.assume_multiple %add3A_33, 128 : i32
      "tpu.region"() ({
        %run_scoped3A = tpu.sem_alloc : memref<!tpu.dma_semaphore, #tpu.memory_space<semaphore_mem>>
        %dma_start3A_39 = tpu.memref_slice %arg3[%multiple_of3A] : memref<323584xi32, #tpu.memory_space<hbm>> -> memref<128xi32, #tpu.memory_space<hbm>>
        %dma_start3A_40 = tpu.memref_slice %arg3[%multiple_of3A] : memref<323584xi32, #tpu.memory_space<hbm>> -> memref<128xi32, #tpu.memory_space<hbm>>
        tpu.enqueue_dma source(%dma_start3A_40 : memref<128xi32, #tpu.memory_space<hbm>>) target(%arg6 : memref<128xi32, #tpu.memory_space<vmem>>) target_semaphore(%run_scoped3A : memref<!tpu.dma_semaphore, #tpu.memory_space<semaphore_mem>>)
        %dma_wait3A_41 = tpu.memref_slice %arg3[%multiple_of3A] : memref<323584xi32, #tpu.memory_space<hbm>> -> memref<128xi32, #tpu.memory_space<hbm>>
        %dma_wait3A_42 = tpu.memref_slice %arg3[%multiple_of3A] : memref<323584xi32, #tpu.memory_space<hbm>> -> memref<128xi32, #tpu.memory_space<hbm>>
        tpu.wait_dma2 semaphore(%run_scoped3A : memref<!tpu.dma_semaphore, #tpu.memory_space<semaphore_mem>>) src(%dma_wait3A_42 : memref<128xi32, #tpu.memory_space<hbm>>) dst(%arg6 : memref<128xi32, #tpu.memory_space<vmem>>)
        tpu.yield
      }) : () -> ()
      "tpu.region"() ({
        %run_scoped3A = tpu.sem_alloc : memref<!tpu.dma_semaphore, #tpu.memory_space<semaphore_mem>>
        %dma_start3A_39 = tpu.memref_slice %arg4[%multiple_of3A] : memref<323584xi32, #tpu.memory_space<hbm>> -> memref<128xi32, #tpu.memory_space<hbm>>
        %dma_start3A_40 = tpu.memref_slice %arg4[%multiple_of3A] : memref<323584xi32, #tpu.memory_space<hbm>> -> memref<128xi32, #tpu.memory_space<hbm>>
        tpu.enqueue_dma source(%dma_start3A_40 : memref<128xi32, #tpu.memory_space<hbm>>) target(%arg7 : memref<128xi32, #tpu.memory_space<vmem>>) target_semaphore(%run_scoped3A : memref<!tpu.dma_semaphore, #tpu.memory_space<semaphore_mem>>)
        %dma_wait3A_41 = tpu.memref_slice %arg4[%multiple_of3A] : memref<323584xi32, #tpu.memory_space<hbm>> -> memref<128xi32, #tpu.memory_space<hbm>>
        %dma_wait3A_42 = tpu.memref_slice %arg4[%multiple_of3A] : memref<323584xi32, #tpu.memory_space<hbm>> -> memref<128xi32, #tpu.memory_space<hbm>>
        tpu.wait_dma2 semaphore(%run_scoped3A : memref<!tpu.dma_semaphore, #tpu.memory_space<semaphore_mem>>) src(%dma_wait3A_42 : memref<128xi32, #tpu.memory_space<hbm>>) dst(%arg7 : memref<128xi32, #tpu.memory_space<vmem>>)
        tpu.yield
      }) : () -> ()
      %dma_start3A = arith.constant 0 : i32
      %dma_start3A_34 = arith.constant 0 : i32
      %dma_start3A_35 = tpu.memref_slice %arg2[%dma_start3A, %dma_start3A_34] : memref<10000x128xf32, #tpu.memory_space<hbm>> -> memref<10000x128xf32, #tpu.memory_space<hbm>>
      tpu.enqueue_indirect_dma source(%dma_start3A_35 : memref<10000x128xf32, #tpu.memory_space<hbm>>) target(%arg8 : memref<128x128xf32, #tpu.memory_space<vmem>>) offsets(%arg6 : memref<128xi32, #tpu.memory_space<vmem>>) semaphore(%arg11 : memref<!tpu.dma_semaphore, #tpu.memory_space<semaphore_mem>>)
      %dma_wait3A = arith.constant 0 : i32
      %dma_wait3A_36 = arith.constant 0 : i32
      %dma_wait3A_37 = tpu.memref_slice %arg2[%dma_wait3A, %dma_wait3A_36] : memref<10000x128xf32, #tpu.memory_space<hbm>> -> memref<10000x128xf32, #tpu.memory_space<hbm>>
      tpu.wait_indirect_dma semaphore(%arg11 : memref<!tpu.dma_semaphore, #tpu.memory_space<semaphore_mem>>) src(%dma_wait3A_37 : memref<10000x128xf32, #tpu.memory_space<hbm>>) dst(%arg8 : memref<128x128xf32, #tpu.memory_space<vmem>>)
      "tpu.region"() ({
        %run_scoped3A = tpu.sem_alloc : memref<!tpu.dma_semaphore, #tpu.memory_space<semaphore_mem>>
        %dma_start3A_39 = arith.constant 0 : i32
        %dma_start3A_40 = arith.constant 0 : i32
        %dma_start3A_41 = tpu.memref_slice %arg10[%dma_start3A_39, %dma_start3A_40] : memref<10240x128xf32, #tpu.memory_space<vmem_shared>> -> memref<10240x128xf32, #tpu.memory_space<vmem_shared>>
        tpu.enqueue_indirect_dma source(%arg8 : memref<128x128xf32, #tpu.memory_space<vmem>>) target(%dma_start3A_41 : memref<10240x128xf32, #tpu.memory_space<vmem_shared>>) offsets(%arg7 : memref<128xi32, #tpu.memory_space<vmem>>) semaphore(%run_scoped3A : memref<!tpu.dma_semaphore, #tpu.memory_space<semaphore_mem>>) {add = true}
        %dma_wait3A_42 = arith.constant 0 : i32
        %dma_wait3A_43 = arith.constant 0 : i32
        %dma_wait3A_44 = tpu.memref_slice %arg10[%dma_wait3A_42, %dma_wait3A_43] : memref<10240x128xf32, #tpu.memory_space<vmem_shared>> -> memref<10240x128xf32, #tpu.memory_space<vmem_shared>>
        tpu.wait_indirect_dma semaphore(%run_scoped3A : memref<!tpu.dma_semaphore, #tpu.memory_space<semaphore_mem>>) src(%arg8 : memref<128x128xf32, #tpu.memory_space<vmem>>) dst(%dma_wait3A_44 : memref<10240x128xf32, #tpu.memory_space<vmem_shared>>)
        tpu.yield
      }) : () -> ()
      %scan3A_38 = arith.constant 0 : i32
      scf.yield %scan3A_38 : i32
    }
    %scan3A_23 = arith.constant 79 : i32
    %barrier3A_24 = arith.constant 0 : index
    tpu.barrier barrier_id(%barrier3A_24)
    %mul3A_25 = arith.constant 640 : i32
    %mul3A_26 = arith.muli %arg1, %mul3A_25 : i32
    %mul3A_27 = arith.constant 640 : i32
    %mul3A_28 = arith.muli %arg1, %mul3A_27 : i32
    "tpu.region"() ({
      %run_scoped3A = tpu.sem_alloc : memref<!tpu.dma_semaphore, #tpu.memory_space<semaphore_mem>>
      %dma_start3A = arith.constant 0 : i32
      %dma_start3A_29 = tpu.memref_slice %arg5[%arg0, %mul3A_28, %dma_start3A] : memref<2x10240x128xf32, #tpu.memory_space<hbm>> -> memref<1x640x128xf32, #tpu.memory_space<hbm>>
      %dma_start3A_30 = tpu.memref_squeeze %dma_start3A_29 : memref<1x640x128xf32, #tpu.memory_space<hbm>> -> memref<640x128xf32, #tpu.memory_space<hbm>>
      %dma_start3A_31 = arith.constant 0 : i32
      %dma_start3A_32 = tpu.memref_slice %arg10[%mul3A_26, %dma_start3A_31] : memref<10240x128xf32, #tpu.memory_space<vmem_shared>> -> memref<640x128xf32, #tpu.memory_space<vmem_shared>>
      tpu.enqueue_dma source(%dma_start3A_32 : memref<640x128xf32, #tpu.memory_space<vmem_shared>>) target(%dma_start3A_30 : memref<640x128xf32, #tpu.memory_space<hbm>>) target_semaphore(%run_scoped3A : memref<!tpu.dma_semaphore, #tpu.memory_space<semaphore_mem>>)
      %dma_wait3A = arith.constant 0 : i32
      %dma_wait3A_33 = tpu.memref_slice %arg5[%arg0, %mul3A_28, %dma_wait3A] : memref<2x10240x128xf32, #tpu.memory_space<hbm>> -> memref<1x640x128xf32, #tpu.memory_space<hbm>>
      %dma_wait3A_34 = tpu.memref_squeeze %dma_wait3A_33 : memref<1x640x128xf32, #tpu.memory_space<hbm>> -> memref<640x128xf32, #tpu.memory_space<hbm>>
      %dma_wait3A_35 = arith.constant 0 : i32
      %dma_wait3A_36 = tpu.memref_slice %arg10[%mul3A_26, %dma_wait3A_35] : memref<10240x128xf32, #tpu.memory_space<vmem_shared>> -> memref<640x128xf32, #tpu.memory_space<vmem_shared>>
      tpu.wait_dma2 semaphore(%run_scoped3A : memref<!tpu.dma_semaphore, #tpu.memory_space<semaphore_mem>>) src(%dma_wait3A_36 : memref<640x128xf32, #tpu.memory_space<vmem_shared>>) dst(%dma_wait3A_34 : memref<640x128xf32, #tpu.memory_space<hbm>>)
      tpu.yield
    }) : () -> ()
    return
  }
}

#map = affine_map<(d0, d1) -> (0, 0)>
#map1 = affine_map<(d0, d1) -> (0)>
#map2 = affine_map<(d0, d1) -> (0, 0, 0)>
module attributes {stable_mosaic.version = 14 : i64} {
  func.func @k(%arg0: i32, %arg1: i32, %arg2: memref<10000x128xf32, #tpu.memory_space<hbm>>, %arg3: memref<323584xi32, #tpu.memory_space<hbm>>, %arg4: memref<323584xi32, #tpu.memory_space<hbm>>, %arg5: memref<2x10240x128xf32, #tpu.memory_space<hbm>>, %arg6: memref<128xi32, #tpu.memory_space<vmem>>, %arg7: memref<128xi32, #tpu.memory_space<vmem>>, %arg8: memref<128x128xf32, #tpu.memory_space<vmem>>, %arg9: memref<64x128xf32, #tpu.memory_space<vmem>>, %arg10: memref<10240x128xf32, #tpu.memory_space<vmem_shared>>, %arg11: memref<!tpu.dma_semaphore, #tpu.memory_space<semaphore_mem>>) attributes {dimension_semantics = [#tpu.dimension_semantics<core_parallel>, #tpu.dimension_semantics<subcore_parallel>], iteration_bounds = array<i64: 2, 16>, scalar_prefetch = 0 : i64, scratch_operands = 6 : i64, tpu.core_type = #tpu.core_type<sc_vector_subcore>, window_params = [{transform_indices = #map}, {transform_indices = #map1}, {transform_indices = #map1}, {transform_indices = #map2}]} {
    %broadcast_in_dim3A = arith.constant 0.000000e+00 : f32
    %broadcast_in_dim3A_0 = vector.broadcast %broadcast_in_dim3A : f32 to vector<16xf32>
    %scan3A = arith.constant 0 : i32
    %scan3A_1 = arith.constant 0 : i32
    %scan3A_2 = arith.constant 512 : i32
    %scan3A_3 = arith.addi %scan3A_1, %scan3A_2 : i32
    %scan3A_4 = arith.constant 1 : i32
    %scan3A_5 = scf.for %scan3A_29 = %scan3A_1 to %scan3A_3 step %scan3A_4 iter_args(%scan3A_30 = %scan3A) -> (i32)  : i32 {
      %jit3A = arith.constant 8 : i32
      %div3A = arith.divsi %scan3A_29, %jit3A : i32
      %sign3A = arith.constant 0 : i32
      %sign3A_31 = arith.cmpi sgt, %scan3A_29, %sign3A : i32
      %sign3A_32 = arith.extui %sign3A_31 : i1 to i32
      %sign3A_33 = arith.constant 0 : i32
      %sign3A_34 = arith.cmpi slt, %scan3A_29, %sign3A_33 : i32
      %sign3A_35 = arith.extui %sign3A_34 : i1 to i32
      %sign3A_36 = arith.subi %sign3A_32, %sign3A_35 : i32
      %sign3A_37 = arith.constant 0 : i32
      %sign3A_38 = arith.cmpi sgt, %jit3A, %sign3A_37 : i32
      %sign3A_39 = arith.extui %sign3A_38 : i1 to i32
      %sign3A_40 = arith.constant 0 : i32
      %sign3A_41 = arith.cmpi slt, %jit3A, %sign3A_40 : i32
      %sign3A_42 = arith.extui %sign3A_41 : i1 to i32
      %sign3A_43 = arith.subi %sign3A_39, %sign3A_42 : i32
      %ne3A = arith.cmpi ne, %sign3A_36, %sign3A_43 : i32
      %rem3A = arith.remsi %scan3A_29, %jit3A : i32
      %ne3A_44 = arith.constant 0 : i32
      %ne3A_45 = arith.cmpi ne, %rem3A, %ne3A_44 : i32
      %and3A = arith.andi %ne3A, %ne3A_45 : i1
      %sub3A = arith.constant 1 : i32
      %sub3A_46 = arith.subi %div3A, %sub3A : i32
      %select_n3A = arith.select %and3A, %sub3A_46, %div3A : i32
      %jit3A_47 = arith.constant 8 : i32
      %eq3A = arith.constant 0 : i32
      %eq3A_48 = arith.cmpi eq, %jit3A_47, %eq3A : i32
      %jit3A_49 = arith.constant 1 : i32
      %select_n3A_50 = arith.select %eq3A_48, %jit3A_49, %jit3A_47 : i32
      %rem3A_51 = arith.remsi %scan3A_29, %select_n3A_50 : i32
      %ne3A_52 = arith.constant 0 : i32
      %ne3A_53 = arith.cmpi ne, %rem3A_51, %ne3A_52 : i32
      %lt3A = arith.constant 0 : i32
      %lt3A_54 = arith.cmpi slt, %rem3A_51, %lt3A : i32
      %lt3A_55 = arith.constant 0 : i32
      %lt3A_56 = arith.cmpi slt, %select_n3A_50, %lt3A_55 : i32
      %ne3A_57 = arith.xori %lt3A_54, %lt3A_56 : i1
      %and3A_58 = arith.andi %ne3A_57, %ne3A_53 : i1
      %add3A_59 = arith.addi %rem3A_51, %select_n3A_50 : i32
      %select_n3A_60 = arith.select %and3A_58, %add3A_59, %rem3A_51 : i32
      %mul3A_61 = arith.constant 16 : i32
      %mul3A_62 = arith.muli %select_n3A_60, %mul3A_61 : i32
      %swap3A = arith.index_cast %select_n3A : i32 to index
      %swap3A_63 = arith.index_cast %mul3A_62 : i32 to index
      %swap3A_64 = tpu.vector_load %arg9[%swap3A, %swap3A_63] {strides = array<i32>} : memref<64x128xf32, #tpu.memory_space<vmem>>, vector<1x16xf32>,
      %swap3A_65 = vector.shape_cast %swap3A_64 : vector<1x16xf32> to vector<16xf32>
      %swap3A_66 = vector.shape_cast %broadcast_in_dim3A_0 : vector<16xf32> to vector<1x16xf32>
      tpu.vector_store %arg9[%swap3A, %swap3A_63], %swap3A_66 {strides = array<i32>} : memref<64x128xf32, #tpu.memory_space<vmem>>, vector<1x16xf32>,
      %scan3A_67 = arith.constant 0 : i32
      scf.yield %scan3A_67 : i32
    }
    %scan3A_6 = arith.constant 512 : i32
    %scan3A_7 = arith.constant 0 : i32
    %scan3A_8 = arith.constant 0 : i32
    %scan3A_9 = arith.constant 10 : i32
    %scan3A_10 = arith.addi %scan3A_8, %scan3A_9 : i32
    %scan3A_11 = arith.constant 1 : i32
    %scan3A_12 = scf.for %scan3A_29 = %scan3A_8 to %scan3A_10 step %scan3A_11 iter_args(%scan3A_30 = %scan3A_7) -> (i32)  : i32 {
      %mul3A_31 = arith.constant 640 : i32
      %mul3A_32 = arith.muli %arg1, %mul3A_31 : i32
      %mul3A_33 = arith.constant 64 : i32
      %mul3A_34 = arith.muli %scan3A_29, %mul3A_33 : i32
      %add3A_35 = arith.addi %mul3A_32, %mul3A_34 : i32
      "tpu.region"() ({
        %run_scoped3A = tpu.sem_alloc : memref<!tpu.dma_semaphore, #tpu.memory_space<semaphore_mem>>
        %dma_start3A = arith.constant 0 : i32
        %dma_start3A_37 = tpu.memref_slice %arg10[%add3A_35, %dma_start3A] : memref<10240x128xf32, #tpu.memory_space<vmem_shared>> -> memref<64x128xf32, #tpu.memory_space<vmem_shared>>
        %dma_start3A_38 = arith.constant 0 : i32
        %dma_start3A_39 = tpu.memref_slice %arg10[%add3A_35, %dma_start3A_38] : memref<10240x128xf32, #tpu.memory_space<vmem_shared>> -> memref<64x128xf32, #tpu.memory_space<vmem_shared>>
        tpu.enqueue_dma source(%arg9 : memref<64x128xf32, #tpu.memory_space<vmem>>) target(%dma_start3A_39 : memref<64x128xf32, #tpu.memory_space<vmem_shared>>) target_semaphore(%run_scoped3A : memref<!tpu.dma_semaphore, #tpu.memory_space<semaphore_mem>>)
        %dma_wait3A = arith.constant 0 : i32
        %dma_wait3A_40 = tpu.memref_slice %arg10[%add3A_35, %dma_wait3A] : memref<10240x128xf32, #tpu.memory_space<vmem_shared>> -> memref<64x128xf32, #tpu.memory_space<vmem_shared>>
        %dma_wait3A_41 = arith.constant 0 : i32
        %dma_wait3A_42 = tpu.memref_slice %arg10[%add3A_35, %dma_wait3A_41] : memref<10240x128xf32, #tpu.memory_space<vmem_shared>> -> memref<64x128xf32, #tpu.memory_space<vmem_shared>>
        tpu.wait_dma2 semaphore(%run_scoped3A : memref<!tpu.dma_semaphore, #tpu.memory_space<semaphore_mem>>) src(%arg9 : memref<64x128xf32, #tpu.memory_space<vmem>>) dst(%dma_wait3A_42 : memref<64x128xf32, #tpu.memory_space<vmem_shared>>)
        tpu.yield
      }) : () -> ()
      %scan3A_36 = arith.constant 0 : i32
      scf.yield %scan3A_36 : i32
    }
    %scan3A_13 = arith.constant 10 : i32
    %barrier3A = arith.constant 0 : index
    tpu.barrier barrier_id(%barrier3A)
    %mul3A = arith.constant 2 : i32
    %mul3A_14 = arith.muli %arg1, %mul3A : i32
    %add3A = arith.addi %mul3A_14, %arg0 : i32
    %mul3A_15 = arith.constant 10112 : i32
    %mul3A_16 = arith.muli %add3A, %mul3A_15 : i32
    %scan3A_17 = arith.constant 0 : i32
    %scan3A_18 = arith.constant 0 : i32
    %scan3A_19 = arith.constant 79 : i32
    %scan3A_20 = arith.addi %scan3A_18, %scan3A_19 : i32
    %scan3A_21 = arith.constant 1 : i32
    %scan3A_22 = scf.for %scan3A_29 = %scan3A_18 to %scan3A_20 step %scan3A_21 iter_args(%scan3A_30 = %scan3A_17) -> (i32)  : i32 {
      %mul3A_31 = arith.constant 128 : i32
      %mul3A_32 = arith.muli %scan3A_29, %mul3A_31 : i32
      %add3A_33 = arith.addi %mul3A_16, %mul3A_32 : i32
      %multiple_of3A = tpu.assume_multiple %add3A_33, 128 : i32
      "tpu.region"() ({
        %run_scoped3A = tpu.sem_alloc : memref<!tpu.dma_semaphore, #tpu.memory_space<semaphore_mem>>
        %dma_start3A_39 = tpu.memref_slice %arg3[%multiple_of3A] : memref<323584xi32, #tpu.memory_space<hbm>> -> memref<128xi32, #tpu.memory_space<hbm>>
        %dma_start3A_40 = tpu.memref_slice %arg3[%multiple_of3A] : memref<323584xi32, #tpu.memory_space<hbm>> -> memref<128xi32, #tpu.memory_space<hbm>>
        tpu.enqueue_dma source(%dma_start3A_40 : memref<128xi32, #tpu.memory_space<hbm>>) target(%arg6 : memref<128xi32, #tpu.memory_space<vmem>>) target_semaphore(%run_scoped3A : memref<!tpu.dma_semaphore, #tpu.memory_space<semaphore_mem>>)
        %dma_wait3A_41 = tpu.memref_slice %arg3[%multiple_of3A] : memref<323584xi32, #tpu.memory_space<hbm>> -> memref<128xi32, #tpu.memory_space<hbm>>
        %dma_wait3A_42 = tpu.memref_slice %arg3[%multiple_of3A] : memref<323584xi32, #tpu.memory_space<hbm>> -> memref<128xi32, #tpu.memory_space<hbm>>
        tpu.wait_dma2 semaphore(%run_scoped3A : memref<!tpu.dma_semaphore, #tpu.memory_space<semaphore_mem>>) src(%dma_wait3A_42 : memref<128xi32, #tpu.memory_space<hbm>>) dst(%arg6 : memref<128xi32, #tpu.memory_space<vmem>>)
        tpu.yield
      }) : () -> ()
      "tpu.region"() ({
        %run_scoped3A = tpu.sem_alloc : memref<!tpu.dma_semaphore, #tpu.memory_space<semaphore_mem>>
        %dma_start3A_39 = tpu.memref_slice %arg4[%multiple_of3A] : memref<323584xi32, #tpu.memory_space<hbm>> -> memref<128xi32, #tpu.memory_space<hbm>>
        %dma_start3A_40 = tpu.memref_slice %arg4[%multiple_of3A] : memref<323584xi32, #tpu.memory_space<hbm>> -> memref<128xi32, #tpu.memory_space<hbm>>
        tpu.enqueue_dma source(%dma_start3A_40 : memref<128xi32, #tpu.memory_space<hbm>>) target(%arg7 : memref<128xi32, #tpu.memory_space<vmem>>) target_semaphore(%run_scoped3A : memref<!tpu.dma_semaphore, #tpu.memory_space<semaphore_mem>>)
        %dma_wait3A_41 = tpu.memref_slice %arg4[%multiple_of3A] : memref<323584xi32, #tpu.memory_space<hbm>> -> memref<128xi32, #tpu.memory_space<hbm>>
        %dma_wait3A_42 = tpu.memref_slice %arg4[%multiple_of3A] : memref<323584xi32, #tpu.memory_space<hbm>> -> memref<128xi32, #tpu.memory_space<hbm>>
        tpu.wait_dma2 semaphore(%run_scoped3A : memref<!tpu.dma_semaphore, #tpu.memory_space<semaphore_mem>>) src(%dma_wait3A_42 : memref<128xi32, #tpu.memory_space<hbm>>) dst(%arg7 : memref<128xi32, #tpu.memory_space<vmem>>)
        tpu.yield
      }) : () -> ()
      %dma_start3A = arith.constant 0 : i32
      %dma_start3A_34 = arith.constant 0 : i32
      %dma_start3A_35 = tpu.memref_slice %arg2[%dma_start3A, %dma_start3A_34] : memref<10000x128xf32, #tpu.memory_space<hbm>> -> memref<10000x128xf32, #tpu.memory_space<hbm>>
      tpu.enqueue_indirect_dma source(%dma_start3A_35 : memref<10000x128xf32, #tpu.memory_space<hbm>>) target(%arg8 : memref<128x128xf32, #tpu.memory_space<vmem>>) offsets(%arg6 : memref<128xi32, #tpu.memory_space<vmem>>) semaphore(%arg11 : memref<!tpu.dma_semaphore, #tpu.memory_space<semaphore_mem>>)
      %dma_wait3A = arith.constant 0 : i32
      %dma_wait3A_36 = arith.constant 0 : i32
      %dma_wait3A_37 = tpu.memref_slice %arg2[%dma_wait3A, %dma_wait3A_36] : memref<10000x128xf32, #tpu.memory_space<hbm>> -> memref<10000x128xf32, #tpu.memory_space<hbm>>
      tpu.wait_indirect_dma semaphore(%arg11 : memref<!tpu.dma_semaphore, #tpu.memory_space<semaphore_mem>>) src(%dma_wait3A_37 : memref<10000x128xf32, #tpu.memory_space<hbm>>) dst(%arg8 : memref<128x128xf32, #tpu.memory_space<vmem>>)
      "tpu.region"() ({
        %run_scoped3A = tpu.sem_alloc : memref<!tpu.dma_semaphore, #tpu.memory_space<semaphore_mem>>
        %dma_start3A_39 = arith.constant 0 : i32
        %dma_start3A_40 = arith.constant 0 : i32
        %dma_start3A_41 = tpu.memref_slice %arg10[%dma_start3A_39, %dma_start3A_40] : memref<10240x128xf32, #tpu.memory_space<vmem_shared>> -> memref<10240x128xf32, #tpu.memory_space<vmem_shared>>
        tpu.enqueue_indirect_dma source(%arg8 : memref<128x128xf32, #tpu.memory_space<vmem>>) target(%dma_start3A_41 : memref<10240x128xf32, #tpu.memory_space<vmem_shared>>) offsets(%arg7 : memref<128xi32, #tpu.memory_space<vmem>>) semaphore(%run_scoped3A : memref<!tpu.dma_semaphore, #tpu.memory_space<semaphore_mem>>) {add = true}
        %dma_wait3A_42 = arith.constant 0 : i32
        %dma_wait3A_43 = arith.constant 0 : i32
        %dma_wait3A_44 = tpu.memref_slice %arg10[%dma_wait3A_42, %dma_wait3A_43] : memref<10240x128xf32, #tpu.memory_space<vmem_shared>> -> memref<10240x128xf32, #tpu.memory_space<vmem_shared>>
        tpu.wait_indirect_dma semaphore(%run_scoped3A : memref<!tpu.dma_semaphore, #tpu.memory_space<semaphore_mem>>) src(%arg8 : memref<128x128xf32, #tpu.memory_space<vmem>>) dst(%dma_wait3A_44 : memref<10240x128xf32, #tpu.memory_space<vmem_shared>>)
        tpu.yield
      }) : () -> ()
      %scan3A_38 = arith.constant 0 : i32
      scf.yield %scan3A_38 : i32
    }
    %scan3A_23 = arith.constant 79 : i32
    %barrier3A_24 = arith.constant 0 : index
    tpu.barrier barrier_id(%barrier3A_24)
    %mul3A_25 = arith.constant 640 : i32
    %mul3A_26 = arith.muli %arg1, %mul3A_25 : i32
    %mul3A_27 = arith.constant 640 : i32
    %mul3A_28 = arith.muli %arg1, %mul3A_27 : i32
    "tpu.region"() ({
      %run_scoped3A = tpu.sem_alloc : memref<!tpu.dma_semaphore, #tpu.memory_space<semaphore_mem>>
      %dma_start3A = arith.constant 0 : i32
      %dma_start3A_29 = tpu.memref_slice %arg5[%arg0, %mul3A_28, %dma_start3A] : memref<2x10240x128xf32, #tpu.memory_space<hbm>> -> memref<1x640x128xf32, #tpu.memory_space<hbm>>
      %dma_start3A_30 = tpu.memref_squeeze %dma_start3A_29 : memref<1x640x128xf32, #tpu.memory_space<hbm>> -> memref<640x128xf32, #tpu.memory_space<hbm>>
      %dma_start3A_31 = arith.constant 0 : i32
      %dma_start3A_32 = tpu.memref_slice %arg10[%mul3A_26, %dma_start3A_31] : memref<10240x128xf32, #tpu.memory_space<vmem_shared>> -> memref<640x128xf32, #tpu.memory_space<vmem_shared>>
      tpu.enqueue_dma source(%dma_start3A_32 : memref<640x128xf32, #tpu.memory_space<vmem_shared>>) target(%dma_start3A_30 : memref<640x128xf32, #tpu.memory_space<hbm>>) target_semaphore(%run_scoped3A : memref<!tpu.dma_semaphore, #tpu.memory_space<semaphore_mem>>)
      %dma_wait3A = arith.constant 0 : i32
      %dma_wait3A_33 = tpu.memref_slice %arg5[%arg0, %mul3A_28, %dma_wait3A] : memref<2x10240x128xf32, #tpu.memory_space<hbm>> -> memref<1x640x128xf32, #tpu.memory_space<hbm>>
      %dma_wait3A_34 = tpu.memref_squeeze %dma_wait3A_33 : memref<1x640x128xf32, #tpu.memory_space<hbm>> -> memref<640x128xf32, #tpu.memory_space<hbm>>
      %dma_wait3A_35 = arith.constant 0 : i32
      %dma_wait3A_36 = tpu.memref_slice %arg10[%mul3A_26, %dma_wait3A_35] : memref<10240x128xf32, #tpu.memory_space<vmem_shared>> -> memref<640x128xf32, #tpu.memory_space<vmem_shared>>
      tpu.wait_dma2 semaphore(%run_scoped3A : memref<!tpu.dma_semaphore, #tpu.memory_space<semaphore_mem>>) src(%dma_wait3A_36 : memref<640x128xf32, #tpu.memory_space<vmem_shared>>) dst(%dma_wait3A_34 : memref<640x128xf32, #tpu.memory_space<hbm>>)
      tpu.yield
    }) : () -> ()
    return
  }
}

module attributes {stable_mosaic.version = 14 : i64} {
  func.func @_lin1_body(%arg0: i32, %arg1: memref<1000x128xf32, #tpu.memory_space<vmem>>, %arg2: memref<128x128xf32, #tpu.memory_space<vmem>>, %arg3: memref<1x128xf32, #tpu.memory_space<vmem>>, %arg4: memref<1000x128xf32, #tpu.memory_space<vmem>>) attributes {dimension_semantics = [#tpu.dimension_semantics<arbitrary>], iteration_bounds = array<i64: 10>, scalar_prefetch = 0 : i64, scratch_operands = 0 : i64, tpu.core_type = #tpu.core_type<tc>, window_params = [{transform_indices = @transform_0, window_bounds = array<i64: 1000, 128>}, {pipeline_mode = #tpu.pipeline_mode<synchronous>, transform_indices = @transform_1, window_bounds = array<i64: 128, 128>}, {pipeline_mode = #tpu.pipeline_mode<synchronous>, transform_indices = @transform_2, window_bounds = array<i64: 1, 128>}, {transform_indices = @transform_3, window_bounds = array<i64: 1000, 128>}]} {
    %get3A = arith.constant 0 : index
    %get3A_0 = arith.constant 0 : index
    %get3A_1 = vector.load %arg1[%get3A, %get3A_0] : memref<1000x128xf32, #tpu.memory_space<vmem>>, vector<1000x128xf32>
    %get3A_2 = arith.constant 0 : index
    %get3A_3 = arith.constant 0 : index
    %get3A_4 = vector.load %arg2[%get3A_2, %get3A_3] : memref<128x128xf32, #tpu.memory_space<vmem>>, vector<128x128xf32>
    %dot_general3A = arith.constant dense<0.000000e+00> : vector<1000x128xf32>
    %dot_general3A_5 = tpu.matmul %get3A_1, %get3A_4, %dot_general3A {dimension_numbers = #tpu.dot_dimension_numbers<[1], [1], [0], [0], [0, 0, 1, 0], [], []>, transpose_lhs_hint = false} : vector<1000x128xf32>, vector<128x128xf32>, vector<1000x128xf32> -> vector<1000x128xf32>
    %get3A_6 = arith.constant 0 : index
    %get3A_7 = arith.constant 0 : index
    %get3A_8 = vector.load %arg3[%get3A_6, %get3A_7] : memref<1x128xf32, #tpu.memory_space<vmem>>, vector<1x128xf32>
    %add3A = vector.broadcast %get3A_8 : vector<1x128xf32> to vector<1000x128xf32>
    %add3A_9 = arith.addf %dot_general3A_5, %add3A : vector<1000x128xf32>
    %swap3A = arith.constant 0 : index
    %swap3A_10 = arith.constant 0 : index
    %swap3A_11 = vector.load %arg4[%swap3A, %swap3A_10] : memref<1000x128xf32, #tpu.memory_space<vmem>>, vector<1000x128xf32>
    tpu.vector_store %arg4[%swap3A, %swap3A_10], %add3A_9 {strides = array<i32>} : memref<1000x128xf32, #tpu.memory_space<vmem>>, vector<1000x128xf32>,
    return
  }
  func.func @transform_0(%arg0: i32) -> (i32, i32) {
    %c0_i32 = arith.constant 0 : i32
    %c0_i32_0 = arith.constant 0 : i32
    return %arg0, %c0_i32 : i32, i32
  }
  func.func @transform_1(%arg0: i32) -> (i32, i32) {
    %c0_i32 = arith.constant 0 : i32
    %c0_i32_0 = arith.constant 0 : i32
    %c0_i32_1 = arith.constant 0 : i32
    return %c0_i32, %c0_i32_0 : i32, i32
  }
  func.func @transform_2(%arg0: i32) -> (i32, i32) {
    %c0_i32 = arith.constant 0 : i32
    %c0_i32_0 = arith.constant 0 : i32
    %c0_i32_1 = arith.constant 0 : i32
    return %c0_i32, %c0_i32_0 : i32, i32
  }
  func.func @transform_3(%arg0: i32) -> (i32, i32) {
    %c0_i32 = arith.constant 0 : i32
    %c0_i32_0 = arith.constant 0 : i32
    return %arg0, %c0_i32 : i32, i32
  }
}

module attributes {stable_mosaic.version = 14 : i64} {
  func.func @_lin2_body(%arg0: i32, %arg1: memref<1000x128xf32, #tpu.memory_space<vmem>>, %arg2: memref<1000x128xf32, #tpu.memory_space<vmem>>, %arg3: memref<128x128xf32, #tpu.memory_space<vmem>>, %arg4: memref<1x128xf32, #tpu.memory_space<vmem>>, %arg5: memref<1000x128xf32, #tpu.memory_space<vmem>>) attributes {dimension_semantics = [#tpu.dimension_semantics<arbitrary>], iteration_bounds = array<i64: 10>, scalar_prefetch = 0 : i64, scratch_operands = 0 : i64, tpu.core_type = #tpu.core_type<tc>, window_params = [{transform_indices = @transform_0, window_bounds = array<i64: 1000, 128>}, {transform_indices = @transform_1, window_bounds = array<i64: 1000, 128>}, {pipeline_mode = #tpu.pipeline_mode<synchronous>, transform_indices = @transform_2, window_bounds = array<i64: 128, 128>}, {pipeline_mode = #tpu.pipeline_mode<synchronous>, transform_indices = @transform_3, window_bounds = array<i64: 1, 128>}, {transform_indices = @transform_4, window_bounds = array<i64: 1000, 128>}]} {
    %get3A = arith.constant 0 : index
    %get3A_0 = arith.constant 0 : index
    %get3A_1 = vector.load %arg1[%get3A, %get3A_0] : memref<1000x128xf32, #tpu.memory_space<vmem>>, vector<1000x128xf32>
    %get3A_2 = arith.constant 0 : index
    %get3A_3 = arith.constant 0 : index
    %get3A_4 = vector.load %arg2[%get3A_2, %get3A_3] : memref<1000x128xf32, #tpu.memory_space<vmem>>, vector<1000x128xf32>
    %add3A = arith.addf %get3A_1, %get3A_4 : vector<1000x128xf32>
    %max3A = arith.constant 0.000000e+00 : f32
    %max3A_5 = vector.broadcast %max3A : f32 to vector<1000x128xf32>
    %max3A_6 = arith.maximumf %add3A, %max3A_5 : vector<1000x128xf32>
    %get3A_7 = arith.constant 0 : index
    %get3A_8 = arith.constant 0 : index
    %get3A_9 = vector.load %arg3[%get3A_7, %get3A_8] : memref<128x128xf32, #tpu.memory_space<vmem>>, vector<128x128xf32>
    %dot_general3A = arith.constant dense<0.000000e+00> : vector<1000x128xf32>
    %dot_general3A_10 = tpu.matmul %max3A_6, %get3A_9, %dot_general3A {dimension_numbers = #tpu.dot_dimension_numbers<[1], [1], [0], [0], [0, 0, 1, 0], [], []>, transpose_lhs_hint = false} : vector<1000x128xf32>, vector<128x128xf32>, vector<1000x128xf32> -> vector<1000x128xf32>
    %get3A_11 = arith.constant 0 : index
    %get3A_12 = arith.constant 0 : index
    %get3A_13 = vector.load %arg4[%get3A_11, %get3A_12] : memref<1x128xf32, #tpu.memory_space<vmem>>, vector<1x128xf32>
    %add3A_14 = vector.broadcast %get3A_13 : vector<1x128xf32> to vector<1000x128xf32>
    %add3A_15 = arith.addf %dot_general3A_10, %add3A_14 : vector<1000x128xf32>
    %swap3A = arith.constant 0 : index
    %swap3A_16 = arith.constant 0 : index
    %swap3A_17 = vector.load %arg5[%swap3A, %swap3A_16] : memref<1000x128xf32, #tpu.memory_space<vmem>>, vector<1000x128xf32>
    tpu.vector_store %arg5[%swap3A, %swap3A_16], %add3A_15 {strides = array<i32>} : memref<1000x128xf32, #tpu.memory_space<vmem>>, vector<1000x128xf32>,
    return
  }
  func.func @transform_0(%arg0: i32) -> (i32, i32) {
    %c0_i32 = arith.constant 0 : i32
    %c0_i32_0 = arith.constant 0 : i32
    return %arg0, %c0_i32 : i32, i32
  }
  func.func @transform_1(%arg0: i32) -> (i32, i32) {
    %c0_i32 = arith.constant 0 : i32
    %c0_i32_0 = arith.constant 0 : i32
    return %arg0, %c0_i32 : i32, i32
  }
  func.func @transform_2(%arg0: i32) -> (i32, i32) {
    %c0_i32 = arith.constant 0 : i32
    %c0_i32_0 = arith.constant 0 : i32
    %c0_i32_1 = arith.constant 0 : i32
    return %c0_i32, %c0_i32_0 : i32, i32
  }
  func.func @transform_3(%arg0: i32) -> (i32, i32) {
    %c0_i32 = arith.constant 0 : i32
    %c0_i32_0 = arith.constant 0 : i32
    %c0_i32_1 = arith.constant 0 : i32
    return %c0_i32, %c0_i32_0 : i32, i32
  }
  func.func @transform_4(%arg0: i32) -> (i32, i32) {
    %c0_i32 = arith.constant 0 : i32
    %c0_i32_0 = arith.constant 0 : i32
    return %arg0, %c0_i32 : i32, i32
  }
}

module attributes {stable_mosaic.version = 14 : i64} {
  func.func @_add_body(%arg0: i32, %arg1: memref<1000x128xf32, #tpu.memory_space<vmem>>, %arg2: memref<1000x128xf32, #tpu.memory_space<vmem>>, %arg3: memref<1000x128xf32, #tpu.memory_space<vmem>>) attributes {dimension_semantics = [#tpu.dimension_semantics<arbitrary>], iteration_bounds = array<i64: 10>, scalar_prefetch = 0 : i64, scratch_operands = 0 : i64, tpu.core_type = #tpu.core_type<tc>, window_params = [{transform_indices = @transform_0, window_bounds = array<i64: 1000, 128>}, {transform_indices = @transform_1, window_bounds = array<i64: 1000, 128>}, {transform_indices = @transform_2, window_bounds = array<i64: 1000, 128>}]} {
    %get3A = arith.constant 0 : index
    %get3A_0 = arith.constant 0 : index
    %get3A_1 = vector.load %arg1[%get3A, %get3A_0] : memref<1000x128xf32, #tpu.memory_space<vmem>>, vector<1000x128xf32>
    %get3A_2 = arith.constant 0 : index
    %get3A_3 = arith.constant 0 : index
    %get3A_4 = vector.load %arg2[%get3A_2, %get3A_3] : memref<1000x128xf32, #tpu.memory_space<vmem>>, vector<1000x128xf32>
    %add3A = arith.addf %get3A_1, %get3A_4 : vector<1000x128xf32>
    %swap3A = arith.constant 0 : index
    %swap3A_5 = arith.constant 0 : index
    %swap3A_6 = vector.load %arg3[%swap3A, %swap3A_5] : memref<1000x128xf32, #tpu.memory_space<vmem>>, vector<1000x128xf32>
    tpu.vector_store %arg3[%swap3A, %swap3A_5], %add3A {strides = array<i32>} : memref<1000x128xf32, #tpu.memory_space<vmem>>, vector<1000x128xf32>,
    return
  }
  func.func @transform_0(%arg0: i32) -> (i32, i32) {
    %c0_i32 = arith.constant 0 : i32
    %c0_i32_0 = arith.constant 0 : i32
    return %arg0, %c0_i32 : i32, i32
  }
  func.func @transform_1(%arg0: i32) -> (i32, i32) {
    %c0_i32 = arith.constant 0 : i32
    %c0_i32_0 = arith.constant 0 : i32
    return %arg0, %c0_i32 : i32, i32
  }
  func.func @transform_2(%arg0: i32) -> (i32, i32) {
    %c0_i32 = arith.constant 0 : i32
    %c0_i32_0 = arith.constant 0 : i32
    return %arg0, %c0_i32 : i32, i32
  }
}

</mosaic_0001>

<sc_bundles>
// kernel: kernel.10.cloned.1.call-start
scs
__scs_entry_jumppad:
0x0: {  	(pc) =	sbr.rel $0x88, $3  }
0x1: {  	(tag) =	ssettag $0x0;
	lr =	simm.s32 $0x1  }
0x2: {  	[smem:$0x3F9B] =	sst lr;
	_ =	strace $0xD0000000  }
0x3: {  	_ = 	snop  }
0x4: {  	_ = 	snop  }
0x5: {  	_ = 	snop  }
0x6: {  	_ = 	snop  }
0x7: {  	_ = 	snop  }
__scs_overlays_trampoline_lowered:
0x8: {  	[smem:$0x3FAA] =	sst s0  }
0x9: {  	[smem:$0x3FAB] =	sst s1  }
0xa: {  	[smem:$0x3FAC] =	sst s2  }
0xb: {  	[smem:$0x3FAD] =	sst s3  }
0xc: {  	[smem:$0x3FAE] =	sst s4  }
0xd: {  	[smem:$0x3FAF] =	sst s5  }
0xe: {  	[smem:$0x3FB0] =	sst s6  }
0xf: {  	[smem:$0x3FB1] =	sst s7  }
0x10: {  	[smem:$0x3FB2] =	sst s8  }
0x11: {  	[smem:$0x3FB3] =	sst s9;
	s0 =	simm.s32 @!p0 $0x0  }
0x12: {  	s1 =	sld [smem:$0x3F99];
	s0 =	simm.s32 @p0 $0x1  }
0x13: {  	[smem:$0x3FB4] =	sst s0;
	s0 =	simm.s32 @!p1 $0x0  }
0x14: {  	s2 =	sld [smem:$0x3F98];
	s0 =	simm.s32 @p1 $0x1  }
0x15: {  	[smem:$0x3FB5] =	sst s0;
	s0 =	simm.s32 @!p2 $0x0  }
0x16: {  	s3 =	sld [smem:$0x3FDB];
	s0 =	simm.s32 @p2 $0x1  }
0x17: {  	s4 =	simm.s32 $0x1BF5;
	[smem:$0x3FB7] =	sst s0  }
0x18: {  	s0 =	sld [smem:$0x3F9A];
	_ =	swait.ge [sflag:s4], $0x0  }
0x19: {  	s7 =	sld [smem:$0x3F9B]  }
0x1a: {  	s8 =	sadd.s32 $0xFFFFE003, lr  }
0x1b: {  	s9 =	sadd.s32 $0xFFFFFEF7, lr;
	s5 =	simm.s32 $0xFFFFFFFF;
	p2 =	slt.u32 s8, $0xFFFFF086  }
0x1c: {  	p1 =	slt.u32 s9, $0xF7A;
	s5 =	simm.s32 @!p2 $0x0  }
0x1d: {  	s5 =	simm.s32 @p1 $0x1;
	p0 =	seq.s32 s7, s2  }
0x1e: {  	s7 =	smul.u32 @!p0 $0xF7A, s2;
	p2 =	seq.s32 @!p0 s5, $0x0  }
0x1f: {  	s9 =	smul.u32 $0xF7A, s1;
	s8 =	simm.s32 @!p0 $0x1BF5;
	p2 =	por !p2, p0  }
0x20: {  	[sflag:s8] =	ssyncset.s32 @!p0 $0xFFFFF086;
	s6 =	sadd.s32 @!p0 s3, s7;
	s7 =	simm.s32 @!p0 $0x108  }
0x21: {  	s3 =	sadd.s32 s3, s9;
	s6 =	sadd.s32 @!p0 $0x88, s6;
	s7 =	simm.s32 @p2 $0x1082  }
0x22: {  	[simem:s7], [sflag:s8] =	dma.local @!p0 [hbm:s6], $0xF7A  }
0x23: {  	s9 =	sor.u32 $0xD0000000, s2;
	s6 =	simm.s32 $0x108;
	_ =	swait.ge @!p0 [sflag:s8], $0x0  }
0x24: {  	s3 =	sadd.s32 $0x88, s3;
	s6 =	simm.s32 @!p1 $0x1082;
	[sflag:s4] =	ssyncset.s32 $0xFFFFF086  }
0x25: {  	[simem:s6], [sflag:s4] =	dma.local [hbm:s3], $0xF7A  }
0x26: {  	[smem:$0x3F9B] =	sst s1;
	(tag) =	ssettag s2;
	_ =	strace s9  }
0x27: {  	s1 =	sld [smem:$0x3FAB]  }
0x28: {  	s2 =	sld [smem:$0x3FAC]  }
0x29: {  	s4 =	sld [smem:$0x3FAE]  }
0x2a: {  	p0 =	seq.s32 s5, $0x0;
	s5 =	sld [smem:$0x3FAF]  }
0x2b: {  	s6 =	sld [smem:$0x3FB0]  }
0x2c: {  	s7 =	sld [smem:$0x3FB1]  }
0x2d: {  	s3 =	simm.s32 $0x108;
	s8 =	sld [smem:$0x3FB2]  }
0x2e: {  	s3 =	simm.s32 @!p0 $0x1082;
	s9 =	sld [smem:$0x3FB3]  }
0x2f: {  	lr =	sadd.s32 s0, s3;
	s0 =	sld [smem:$0x3FAA]  }
0x30: {  	s3 =	sld [smem:$0x3FAD]  }
0x31: {  	[smem:$0x3FB6] =	sst s10  }
0x32: {  	s10 =	sld [smem:$0x3FB4];
	_ =	sdelay $0x3  }
0x33: {  	p0 =	seq.s32 s10, $0x1;
	s10 =	sld [smem:$0x3FB6];
	_ =	sdelay $0x3  }
0x34: {  	[smem:$0x3FB6] =	sst s10  }
0x35: {  	s10 =	sld [smem:$0x3FB5];
	_ =	sdelay $0x3  }
0x36: {  	p1 =	seq.s32 s10, $0x1;
	s10 =	sld [smem:$0x3FB6];
	_ =	sdelay $0x3  }
0x37: {  	[smem:$0x3FB6] =	sst s10  }
0x38: {  	s10 =	sld [smem:$0x3FB7]  }
0x39: {  	_ = 	snop;
	(pc) =	sbr.ind lr, $3  }
0x3a: {  	_ = 	snop  }
0x3b: {  	_ = 	snop  }
0x3c: {  	p2 =	seq.s32 s10, $0x1;
	s10 =	sld [smem:$0x3FB6]  }
0x3d: {  	_ =	shalt  }
0x3e: {  	_ =	shalt  }
0x3f: {  	_ =	shalt  }
0x40: {  	_ =	shalt  }
0x41: {  	_ =	shalt  }
0x42: {  	_ =	shalt  }
0x43: {  	_ =	shalt  }
0x44: {  	_ =	shalt  }
0x45: {  	_ =	shalt  }
0x46: {  	_ =	shalt  }
0x47: {  	_ =	shalt  }
0x48: {  	_ =	shalt  }
0x49: {  	_ =	shalt  }
0x4a: {  	_ =	shalt  }
0x4b: {  	_ =	shalt  }
0x4c: {  	_ =	shalt  }
0x4d: {  	_ =	shalt  }
0x4e: {  	_ =	shalt  }
0x4f: {  	_ =	shalt  }
0x50: {  	_ =	shalt  }
0x51: {  	_ =	shalt  }
0x52: {  	_ =	shalt  }
0x53: {  	_ =	shalt  }
0x54: {  	_ =	shalt  }
0x55: {  	_ =	shalt  }
0x56: {  	_ =	shalt  }
0x57: {  	_ =	shalt  }
0x58: {  	_ =	shalt  }
0x59: {  	_ =	shalt  }
0x5a: {  	_ =	shalt  }
0x5b: {  	_ =	shalt  }
0x5c: {  	_ =	shalt  }
0x5d: {  	_ =	shalt  }
0x5e: {  	_ =	shalt  }
0x5f: {  	_ =	shalt  }
0x60: {  	_ =	shalt  }
0x61: {  	_ =	shalt  }
0x62: {  	_ =	shalt  }
0x63: {  	_ =	shalt  }
0x64: {  	_ =	shalt  }
0x65: {  	_ =	shalt  }
0x66: {  	_ =	shalt  }
0x67: {  	_ =	shalt  }
0x68: {  	_ =	shalt  }
0x69: {  	_ =	shalt  }
0x6a: {  	_ =	shalt  }
0x6b: {  	_ =	shalt  }
0x6c: {  	_ =	shalt  }
0x6d: {  	_ =	shalt  }
0x6e: {  	_ =	shalt  }
0x6f: {  	_ =	shalt  }
0x70: {  	_ =	shalt  }
0x71: {  	_ =	shalt  }
0x72: {  	_ =	shalt  }
0x73: {  	_ =	shalt  }
0x74: {  	_ =	shalt  }
0x75: {  	_ =	shalt  }
0x76: {  	_ =	shalt  }
0x77: {  	_ =	shalt  }
0x78: {  	_ =	shalt  }
0x79: {  	_ =	shalt  }
0x7a: {  	_ =	shalt  }
0x7b: {  	_ =	shalt  }
0x7c: {  	_ =	shalt  }
0x7d: {  	_ =	shalt  }
0x7e: {  	_ =	shalt  }
0x7f: {  	_ =	shalt  }
0x80: {  	_ =	shalt  }
0x81: {  	_ =	shalt  }
0x82: {  	_ =	shalt  }
0x83: {  	_ =	shalt  }
0x84: {  	_ =	shalt  }
0x85: {  	_ =	shalt  }
0x86: {  	_ =	shalt  }
0x87: {  	_ =	shalt  }
.Lfunc_end0:
.L_simem_size_0:
called_computation.1_lowered:
.L_overlay_start_0:
0x88: {  	s2 =	sld [smem:$0x3FD9]  }
0x89: {  	s3 =	sld [smem:$0x3FFE];
	_ =	sdelay $0x1  }
0x8a: {  	s1 =	srdreg.scid  }
0x8b: {  	s0 =	sand.u32 $0x1, s1  }
0x8c: {  	s17 =	sshll.u32 s0, $0xA;
	s2 =	sadd.s32 s3, s2  }
0x8d: {  	s2 =	sadd.s32 s2, s17  }
0x8e: {  	[smem:$0x3FC2] =	sst s2  }
0x8f: {  	_ = 	snop  }
0x90: {  	s2 =	sld [smem:$0x3FD0];
	(tm) =	ssettm $0x1  }
0x91: {  	s18 =	sld [smem:$0x3FFB];
	_ =	sdelay $0x3  }
0x92: {  	_ =	strace s18  }
0x93: {  	s3 =	sld [smem:$0x3FFC];
	_ =	sdelay $0x3  }
0x94: {  	_ =	strace s3  }
0x95: {  	s3 =	sld [smem:$0x3FFD];
	_ =	sdelay $0x3  }
0x96: {  	_ =	strace s3  }
0x97: {  	_ =	strace $0x8FFFFFFF  }
0x98: {  	s19 =	sld [smem:$0x3FDB];
	_ =	sdelay $0x1  }
0x99: {  	s4 =	simm.s32 $_scs_section_size  }
0x9a: {  	s5 =	simm.s32 $_size__tile_overlayer_lowered;
	s6 =	simm.s32 $_tile_overlayer_lowered  }
0x9b: {  	s22 =	simm.s32 $0x1BFF;
	s21 =	sshll.u32 s6, $0x1;
	s3 =	sadd.s32 s4, s19  }
0x9c: {  	s7 =	simm.s32 $0x0;
	s20 =	sshll.u32 s5, $0x1;
	s5 =	sadd.s32 s21, s3  }
0x9d: {  	[timem:s7], [sflag:s22] =	dma.local [hbm:s5], s20  }
0x9e: {  	_ =	swait.ge [sflag:s22], s20  }
0x9f: {  	s4 =	ssub.s32 $0x0, s20;
	[sflag:s22] =	ssyncset.done $0x0  }
0xa0: {  	[sflag:s22] =	ssyncadd.s32 s4;
	_ =	sdelay $0x1  }
0xa1: {  	s23 =	simm.s32 $0x1B8B  }
0xa2: {  	_ =	swait.ge [sflag:s23], $0x1  }
0xa3: {  	[sflag:s23] =	ssyncset.done $0x0  }
0xa4: {  	s25 =	simm.s32 $0x1B8E;
	s24 =	sld [smem:$0x3FFE];
	[sflag:s23] =	ssyncadd.s32 $0xFFFFFFFF  }
0xa5: {  	s26 =	simm.s32 $execute0_lowered;
	[smem:$0x3FD2] =	sst s25  }
0xa6: {  	s5 =	sshll.u32 s26, $0x1;
	_ =	strace $0x80000049;
	[dreg:$0x1] =	wrdreg $0xFFFFFFFF  }
0xa7: {  	s28 =	simm.s32 $_size_execute0_lowered;
	s3 =	sadd.s32 s3, s5;
	[dreg:$0x0] =	wrdreg $0x0  }
0xa8: {  	s5 =	sshll.u32 s28, $0x1;
	[dreg:$0x2] =	wrdreg s3  }
0xa9: {  	[dreg:$0x3] =	wrdreg s5  }
0xaa: {  	[dreg:$0x4] =	wrdreg $0xC0  }
0xab: {  	_ =	task [dreg:s7], $0x5FFFF  }
0xac: {  	[dreg:$0x1] =	wrdreg $0xFFFFFFFF  }
0xad: {  	[dreg:$0x0] =	wrdreg $0x60  }
0xae: {  	[dreg:$0x2] =	wrdreg s2  }
0xaf: {  	[dreg:$0x3] =	wrdreg s24  }
0xb0: {  	[dreg:$0x4] =	wrdreg $0x61000  }
0xb1: {  	[dreg:$0x5] =	wrdreg $0x9  }
0xb2: {  	_ =	task.clear_ibuf [dreg:s7], $0x6FFFF;
	_ =	strace $0x90000049  }
0xb3: {  	s29 =	simm.s32 $0x9;
	_ =	strace $0x8000004B  }
0xb4: {  	_ =	swait.ge [sflag:s29], $0x1  }
0xb5: {  	[sflag:s29] =	ssyncadd.s32 $0xFFFFFFFF  }
0xb6: {  	_ =	strace $0x9000004B  }
0xb7: {  	_ =	sfence  }
0xb8: {  	s30 =	sld [smem:$0x0];
	_ =	sdelay $0x2  }
0xb9: {  	s31 =	sshll.u32 s1, $0xD;
	s1 =	sshrl.u32 s1, $0x2  }
0xba: {  	s3 =	sand.u32 $0x4000, s31;
	s1 =	sadd.s32 s1, s30  }
0xbb: {  	s0 =	sor.u32 s3, s0;
	s1 =	sshll.u32 s1, $0x11  }
0xbc: {  	s0 =	sor.u32 s1, s0  }
0xbd: {  	s0 =	sadd.s32 $0x8F2B, s0  }
0xbe: {  	[sflag:s0] =	ssyncadd.remote.s32 $0x1  }
0xbf: {  	_ =	sfence.sel $0xFFFF  }
0xc0: {  	[dreg:$0x0] =	wrdreg $0xFFFFFFFF;
	(pc) =	sbr.abs _section_cstart, $3  }
0xc1: {  	[dreg:$0x1] =	wrdreg $0xFFFFFFFF  }
0xc2: {  	_ =	task.clear_ibuf [dreg:s7], $0x2FFFF;
	_ =	strace $0x9FFFFFFF  }
0xc3: {  	(tm) =	ssettm $0x7FFFFFFF  }
tec
execute0_lowered:
.L_overlay_start_1:
0x0: {  	(tag) =	ssettag $0x1  }
0x1: {  	s1 =	rddreg [dreg:$0x0]  }
0x2: {  	s5 =	rddreg [dreg:$0x1];
	s0 =	stileid.u32  }
0x3: {  	s2 =	srdreg.scid;
	s3 =	rddreg [dreg:$0x2]  }
0x4: {  	s4 =	simm.s32 $0x0;
	s19 =	simm.s32 $0x4100;
	s20 =	simm.s32 $0x2  }
0x5: {  	s21 =	simm.s32 $0x80;
	s22 =	simm.s32 $0x100;
	s6 =	smul.u32 $0x9E0, s0  }
0x6: {  	s23 =	simm.s32 $0x1;
	s24 =	simm.s32 $0x0;
	s8 =	smul.u32 $0x14000, s0  }
0x7: {  	s11 =	sand.u32 $0x1, s2;
	[smem:$0x7FF] =	sst s4;
	s9 =	smul.u32 $0x50000, s0  }
0x8: {  	s2 =	rddreg [dreg:$0x3];
	s7 =	smul.u32 $0x140000, s11;
	_ =	strace $0x8000004A  }
0x9: {  	s30 =	ssub.s32 $0x2, s11;
	s17 =	smul.u32 $0x4F0, s11;
	s16 =	sadd.s32 s6, s5  }
0xa: {  	s31 =	sshrl.u32 s30, $0x1;
	s9 =	sshrl.u32 s9, $0x2;
	s29 =	sadd.s32 s8, s7  }
0xb: {  	s7 =	ssub.s32 s30, s31;
	s18 =	sadd.s32 s17, s16;
	s6 =	sshrl.u32 s29, $0x3  }
0xc: {  	s7 =	smax.u32 s7, $0x1;
	s17 =	sadd.s32 $0x1200, s18;
	s6 =	sadd.s32 s6, s5  }
0xd: {  	s18 =	sadd.s32 $0xB000, s18;
	s5 =	sadd.s32 s9, s3;
	s6 =	sadd.s32 $0x14E00, s6  }
0xe: {  	s8 =	sadd.s32 $0x2000, s5;
	s9 =	sadd.s32 $0x4000, s5;
	s10 =	sadd.s32 $0x6000, s5  }
0xf: {  	s11 =	sadd.s32 $0x8000, s5;
	s12 =	sadd.s32 $0xA000, s5;
	s13 =	sadd.s32 $0xC000, s5  }
0x10: {  	v0 =	vimm.f32 $0.0e+00;
	s14 =	sadd.s32 $0xE000, s5;
	s15 =	sadd.s32 $0x10000, s5;
	s16 =	sadd.s32 $0x12000, s5  }
.LBB2_1:
0x11: {  	s25 =	sand.u32 $0x7E00, s4  }
0x12: {  	s26 =	sand.u32 $0x70, s4;
	s28 =	sshrl.u32 s25, $0x2  }
0x13: {  	s25 =	simm.s32 $0x40;
	s28 =	sor.u32 s26, s28;
	s26 =	simm.s32 $0x0  }
.LBB2_2:
0x14: {  	p0 =	sne.s32 s25, $0x7FC0  }
0x15: {  	[tilespmem:s28+$0x4100] =	vst v0;
	s26 =	sadd.s32 $0x10, s26;
	s28 =	smov.u32 s25;
	s25 =	sadd.s32 $0x40, s25  }
.Ltmp0:
0x16: {  	(pc) =	sbr.rel @p0 .LBB2_2-.Ltmp0, $4  }
0x17: {  	_ = 	snop  }
0x18: {  	s28 =	sand.u32 $0x7E00, s28  }
0x19: {  	s29 =	sand.u32 $0x70, s26;
	s28 =	sshrl.u32 s28, $0x2  }
0x1a: {  	s28 =	sor.u32 s29, s28  }
0x1b: {  	[tilespmem:s28+$0x4100] =	vst v0  }
0x1c: {  	[spmem:s5] =	stream.linear.scatter [tilespmem:s19], [sflag:$0x2], $0x2000, $0x38;
	[tilespmem:$0x1A100] =	vst v63  }
0x1d: {  	_ =	swait.ge [sflag:s20], $0x2000  }
0x1e: {  	[sflag:s20] =	ssyncset.done $0x0  }
0x1f: {  	[sflag:s20] =	ssyncadd.s32 $0xFFFFE000  }
0x20: {  	[spmem:s8] =	stream.linear.scatter [tilespmem:s19], [sflag:$0x2], $0x2000, $0x38;
	[tilespmem:$0x1A100] =	vst v63  }
0x21: {  	_ =	swait.ge [sflag:s20], $0x2000  }
0x22: {  	[sflag:s20] =	ssyncset.done $0x0  }
0x23: {  	[sflag:s20] =	ssyncadd.s32 $0xFFFFE000  }
0x24: {  	[spmem:s9] =	stream.linear.scatter [tilespmem:s19], [sflag:$0x2], $0x2000, $0x38;
	[tilespmem:$0x1A100] =	vst v63  }
0x25: {  	_ =	swait.ge [sflag:s20], $0x2000  }
0x26: {  	[sflag:s20] =	ssyncset.done $0x0  }
0x27: {  	[sflag:s20] =	ssyncadd.s32 $0xFFFFE000  }
0x28: {  	[spmem:s10] =	stream.linear.scatter [tilespmem:s19], [sflag:$0x2], $0x2000, $0x38;
	[tilespmem:$0x1A100] =	vst v63  }
0x29: {  	_ =	swait.ge [sflag:s20], $0x2000  }
0x2a: {  	[sflag:s20] =	ssyncset.done $0x0  }
0x2b: {  	[sflag:s20] =	ssyncadd.s32 $0xFFFFE000  }
0x2c: {  	[spmem:s11] =	stream.linear.scatter [tilespmem:s19], [sflag:$0x2], $0x2000, $0x38;
	[tilespmem:$0x1A100] =	vst v63  }
0x2d: {  	_ =	swait.ge [sflag:s20], $0x2000  }
0x2e: {  	[sflag:s20] =	ssyncset.done $0x0  }
0x2f: {  	[sflag:s20] =	ssyncadd.s32 $0xFFFFE000  }
0x30: {  	[spmem:s12] =	stream.linear.scatter [tilespmem:s19], [sflag:$0x2], $0x2000, $0x38;
	[tilespmem:$0x1A100] =	vst v63  }
0x31: {  	_ =	swait.ge [sflag:s20], $0x2000  }
0x32: {  	[sflag:s20] =	ssyncset.done $0x0  }
0x33: {  	[sflag:s20] =	ssyncadd.s32 $0xFFFFE000  }
0x34: {  	[spmem:s13] =	stream.linear.scatter [tilespmem:s19], [sflag:$0x2], $0x2000, $0x38;
	[tilespmem:$0x1A100] =	vst v63  }
0x35: {  	_ =	swait.ge [sflag:s20], $0x2000  }
0x36: {  	[sflag:s20] =	ssyncset.done $0x0  }
0x37: {  	[sflag:s20] =	ssyncadd.s32 $0xFFFFE000  }
0x38: {  	[spmem:s14] =	stream.linear.scatter [tilespmem:s19], [sflag:$0x2], $0x2000, $0x38;
	[tilespmem:$0x1A100] =	vst v63  }
0x39: {  	_ =	swait.ge [sflag:s20], $0x2000  }
0x3a: {  	[sflag:s20] =	ssyncset.done $0x0  }
0x3b: {  	[sflag:s20] =	ssyncadd.s32 $0xFFFFE000  }
0x3c: {  	[spmem:s15] =	stream.linear.scatter [tilespmem:s19], [sflag:$0x2], $0x2000, $0x38;
	[tilespmem:$0x1A100] =	vst v63  }
0x3d: {  	_ =	swait.ge [sflag:s20], $0x2000  }
0x3e: {  	[sflag:s20] =	ssyncset.done $0x0  }
0x3f: {  	[sflag:s20] =	ssyncadd.s32 $0xFFFFE000  }
0x40: {  	[spmem:s16] =	stream.linear.scatter [tilespmem:s19], [sflag:$0x2], $0x2000, $0x38;
	[tilespmem:$0x1A100] =	vst v63  }
0x41: {  	_ =	swait.ge [sflag:s20], $0x2000  }
0x42: {  	[sflag:s20] =	ssyncset.done $0x0  }
0x43: {  	[sflag:s20] =	ssyncadd.s32 $0xFFFFE000  }
0x44: {  	s25 =	sadd.s32 $0x0, s18;
	[bflag:$0x0] =	sbarrier.arrive $0xFFFF  }
0x45: {  	[tilespmem:s4], [sflag:$0x2] =	stream.linear.gather [hbm4b:s25+s4], $0x80, $0x38;
	[tilespmem:$0x1A100] =	vst v63  }
0x46: {  	_ =	swait.ge [sflag:s20], $0x80  }
0x47: {  	[sflag:s20] =	ssyncset.done $0x0  }
0x48: {  	s31 =	sadd.s32 $0x0, s17;
	[sflag:s20] =	ssyncadd.s32 $0xFFFFFF80  }
0x49: {  	[tilespmem:s21], [sflag:$0x2] =	stream.linear.gather [hbm4b:s31+s4], $0x80, $0x38;
	[tilespmem:$0x1A100] =	vst v63  }
0x4a: {  	_ =	swait.ge [sflag:s20], $0x80  }
0x4b: {  	[sflag:s20] =	ssyncset.done $0x0  }
0x4c: {  	[sflag:s20] =	ssyncadd.s32 $0xFFFFFF80  }
0x4d: {  	[tilespmem:s22], [sflag:$0x1] =	stream.indirect.gather [hbm4b:s1+s21], $0x80, s4, s21, $0xb8;
	[tilespmem:$0x1A100] =	vst v63  }
0x4e: {  	_ =	swait.ge [sflag:s23], $0x4000  }
0x4f: {  	[sflag:s23] =	ssyncset.done $0x0  }
0x50: {  	[sflag:s23] =	ssyncadd.s32 $0xFFFFC000  }
0x51: {  	[spmem:s3] =	stream.indirect.scatter.add.f32 [tilespmem:s22], [sflag:$0x2], $0x80, s21, s21, $0xb8;
	[tilespmem:$0x1A100] =	vst v63  }
0x52: {  	_ =	swait.ge [sflag:s20], $0x4000  }
0x53: {  	s26 =	simm.s32 $0x20;
	s25 =	simm.s32 $0x10;
	[sflag:s20] =	ssyncset.done $0x0  }
.LBB2_4:
0x54: {  	s28 =	sadd.s32 s25, s18  }
0x55: {  	[sflag:s20] =	ssyncadd.s32 $0xFFFFC000;
	s29 =	smov.u32 s26;
	s30 =	sadd.s32 $0x10, s26  }
0x56: {  	[tilespmem:s4], [sflag:$0x2] =	stream.linear.gather [hbm4b:s28+s4], $0x80, $0x38;
	[tilespmem:$0x1A100] =	vst v63  }
0x57: {  	p0 =	sne.s32 s26, $0x4E0;
	_ =	swait.ge [sflag:s20], $0x80  }
0x58: {  	[sflag:s20] =	ssyncset.done $0x0  }
0x59: {  	s26 =	sadd.s32 s25, s17;
	s25 =	smov.u32 s29;
	[sflag:s20] =	ssyncadd.s32 $0xFFFFFF80  }
0x5a: {  	[tilespmem:s21], [sflag:$0x2] =	stream.linear.gather [hbm4b:s26+s4], $0x80, $0x38;
	[tilespmem:$0x1A100] =	vst v63  }
0x5b: {  	_ =	swait.ge [sflag:s20], $0x80  }
0x5c: {  	[sflag:s20] =	ssyncset.done $0x0  }
0x5d: {  	[sflag:s20] =	ssyncadd.s32 $0xFFFFFF80  }
0x5e: {  	[tilespmem:s22], [sflag:$0x1] =	stream.indirect.gather [hbm4b:s1+s21], $0x80, s4, s21, $0xb8;
	[tilespmem:$0x1A100] =	vst v63  }
0x5f: {  	_ =	swait.ge [sflag:s23], $0x4000  }
.Ltmp1:
0x60: {  	[sflag:s23] =	ssyncset.done $0x0;
	(pc) =	sbr.rel @p0 .LBB2_4-.Ltmp1, $4  }
0x61: {  	[sflag:s23] =	ssyncadd.s32 $0xFFFFC000  }
0x62: {  	[spmem:s3] =	stream.indirect.scatter.add.f32 [tilespmem:s22], [sflag:$0x2], $0x80, s21, s21, $0xb8;
	[tilespmem:$0x1A100] =	vst v63  }
0x63: {  	_ =	swait.ge [sflag:s20], $0x4000  }
0x64: {  	s26 =	smov.u32 s30;
	[sflag:s20] =	ssyncset.done $0x0  }
0x65: {  	s26 =	sadd.s32 s25, s18;
	[sflag:s20] =	ssyncadd.s32 $0xFFFFC000  }
0x66: {  	[tilespmem:s4], [sflag:$0x2] =	stream.linear.gather [hbm4b:s26+s4], $0x80, $0x38;
	[tilespmem:$0x1A100] =	vst v63  }
0x67: {  	_ =	swait.ge [sflag:s20], $0x80  }
0x68: {  	[sflag:s20] =	ssyncset.done $0x0  }
0x69: {  	s29 =	sadd.s32 s25, s17;
	[sflag:s20] =	ssyncadd.s32 $0xFFFFFF80  }
0x6a: {  	[tilespmem:s21], [sflag:$0x2] =	stream.linear.gather [hbm4b:s29+s4], $0x80, $0x38;
	[tilespmem:$0x1A100] =	vst v63  }
0x6b: {  	_ =	swait.ge [sflag:s20], $0x80  }
0x6c: {  	[sflag:s20] =	ssyncset.done $0x0  }
0x6d: {  	[sflag:s20] =	ssyncadd.s32 $0xFFFFFF80  }
0x6e: {  	[tilespmem:s22], [sflag:$0x1] =	stream.indirect.gather [hbm4b:s1+s21], $0x80, s4, s21, $0xb8;
	[tilespmem:$0x1A100] =	vst v63  }
0x6f: {  	_ =	swait.ge [sflag:s23], $0x4000  }
0x70: {  	[sflag:s23] =	ssyncset.done $0x0  }
0x71: {  	[sflag:s23] =	ssyncadd.s32 $0xFFFFC000  }
0x72: {  	[spmem:s3] =	stream.indirect.scatter.add.f32 [tilespmem:s22], [sflag:$0x2], $0x80, s21, s21, $0xb8;
	[tilespmem:$0x1A100] =	vst v63  }
0x73: {  	_ =	swait.ge [sflag:s20], $0x4000  }
0x74: {  	s30 =	sshll.u32 s0, $0x6;
	s24 =	sadd.s32 $0x1, s24;
	[sflag:s20] =	ssyncset.done $0x0  }
0x75: {  	s31 =	sshrl.u32 s5, $0x3;
	p0 =	sne.s32 s24, s7;
	[sflag:s20] =	ssyncadd.s32 $0xFFFFC000  }
.Ltmp2:
0x76: {  	s25 =	sor.u32 $0x1C02, s30;
	[bflag:$0x0] =	sbarrier.arrive $0xFFFF;
	(pc) =	sbr.rel @p0 .LBB2_1-.Ltmp2, $4  }
0x77: {  	[hbm:s6], [sflag:s25] =	dma.local [spmem:s31], $0x2800  }
0x78: {  	_ =	swait.ge [sflag:s20], $0x2800  }
0x79: {  	[sflag:s20] =	ssyncset.done $0x0  }
0x7a: {  	[sflag:s20] =	ssyncadd.s32 $0xFFFFD800  }
0x7b: {  	_ =	sfence.sel $0x180000  }
0x7c: {  	[bflag:$0x0] =	sbarrier.arrive $0xFFFF  }
0x7d: {  	p0 =	sne.s32 s0, $0x0;
	_ =	strace $0x9000004A  }
0x7e: {  	s0 =	sadd.s32 @!p0 $0x100000, s2;
	[bflag:$0x2] =	sbarrier.arrive $0xFFFF  }
0x7f: {  	[sflag:s0] =	ssyncadd.tile.s32 @!p0 $0x1;
	_ =	shalt  }
.Lfunc_end2:
_tile_overlayer_lowered:
.L_overlay_start_2:
0x80: {  	(tag) =	ssettag $0x2  }
0x81: {  	s0 =	rddreg [dreg:$0x0];
	s2 =	stileid.u32  }
0x82: {  	s1 =	rddreg [dreg:$0x1];
	p0 =	sne.s32 s2, $0x0  }
0x83: {  	s3 =	rddreg [dreg:$0x2];
	[bflag:$0x3] =	sbarrier.arrive $0xFFFF;
	s2 =	simm.s32 @!p0 $0x1C02  }
0x84: {  	[timem:s3], [sflag:s2] =	dma.local @!p0 [hbm:s0], s1  }
0x85: {  	s0 =	simm.s32 @!p0 $0x2  }
0x86: {  	_ =	swait.ge @!p0 [sflag:s0], s1  }
0x87: {  	s1 =	ssub.s32 @!p0 $0x0, s1;
	[sflag:s0] =	ssyncset.done @!p0 $0x0  }
0x88: {  	[sflag:s0] =	ssyncadd.s32 @!p0 s1  }
0x89: {  	[bflag:$0x3] =	sbarrier.arrive $0xFFFF  }
0x8a: {  	_ =	shalt  }

// kernel: kernel.7.cloned.1.call-start
scs
__scs_entry_jumppad:
0x0: {  	(pc) =	sbr.rel $0x88, $3  }
0x1: {  	(tag) =	ssettag $0x0;
	lr =	simm.s32 $0x1  }
0x2: {  	[smem:$0x3F9B] =	sst lr;
	_ =	strace $0xD0000000  }
0x3: {  	_ = 	snop  }
0x4: {  	_ = 	snop  }
0x5: {  	_ = 	snop  }
0x6: {  	_ = 	snop  }
0x7: {  	_ = 	snop  }
__scs_overlays_trampoline_lowered:
0x8: {  	[smem:$0x3FAA] =	sst s0  }
0x9: {  	[smem:$0x3FAB] =	sst s1  }
0xa: {  	[smem:$0x3FAC] =	sst s2  }
0xb: {  	[smem:$0x3FAD] =	sst s3  }
0xc: {  	[smem:$0x3FAE] =	sst s4  }
0xd: {  	[smem:$0x3FAF] =	sst s5  }
0xe: {  	[smem:$0x3FB0] =	sst s6  }
0xf: {  	[smem:$0x3FB1] =	sst s7  }
0x10: {  	[smem:$0x3FB2] =	sst s8  }
0x11: {  	[smem:$0x3FB3] =	sst s9;
	s0 =	simm.s32 @!p0 $0x0  }
0x12: {  	s1 =	sld [smem:$0x3F99];
	s0 =	simm.s32 @p0 $0x1  }
0x13: {  	[smem:$0x3FB4] =	sst s0;
	s0 =	simm.s32 @!p1 $0x0  }
0x14: {  	s2 =	sld [smem:$0x3F98];
	s0 =	simm.s32 @p1 $0x1  }
0x15: {  	[smem:$0x3FB5] =	sst s0;
	s0 =	simm.s32 @!p2 $0x0  }
0x16: {  	s3 =	sld [smem:$0x3FDB];
	s0 =	simm.s32 @p2 $0x1  }
0x17: {  	s4 =	simm.s32 $0x1BF5;
	[smem:$0x3FB7] =	sst s0  }
0x18: {  	s0 =	sld [smem:$0x3F9A];
	_ =	swait.ge [sflag:s4], $0x0  }
0x19: {  	s7 =	sld [smem:$0x3F9B]  }
0x1a: {  	s8 =	sadd.s32 $0xFFFFE003, lr  }
0x1b: {  	s9 =	sadd.s32 $0xFFFFFEF7, lr;
	s5 =	simm.s32 $0xFFFFFFFF;
	p2 =	slt.u32 s8, $0xFFFFF086  }
0x1c: {  	p1 =	slt.u32 s9, $0xF7A;
	s5 =	simm.s32 @!p2 $0x0  }
0x1d: {  	s5 =	simm.s32 @p1 $0x1;
	p0 =	seq.s32 s7, s2  }
0x1e: {  	s7 =	smul.u32 @!p0 $0xF7A, s2;
	p2 =	seq.s32 @!p0 s5, $0x0  }
0x1f: {  	s9 =	smul.u32 $0xF7A, s1;
	s8 =	simm.s32 @!p0 $0x1BF5;
	p2 =	por !p2, p0  }
0x20: {  	[sflag:s8] =	ssyncset.s32 @!p0 $0xFFFFF086;
	s6 =	sadd.s32 @!p0 s3, s7;
	s7 =	simm.s32 @!p0 $0x108  }
0x21: {  	s3 =	sadd.s32 s3, s9;
	s6 =	sadd.s32 @!p0 $0x88, s6;
	s7 =	simm.s32 @p2 $0x1082  }
0x22: {  	[simem:s7], [sflag:s8] =	dma.local @!p0 [hbm:s6], $0xF7A  }
0x23: {  	s9 =	sor.u32 $0xD0000000, s2;
	s6 =	simm.s32 $0x108;
	_ =	swait.ge @!p0 [sflag:s8], $0x0  }
0x24: {  	s3 =	sadd.s32 $0x88, s3;
	s6 =	simm.s32 @!p1 $0x1082;
	[sflag:s4] =	ssyncset.s32 $0xFFFFF086  }
0x25: {  	[simem:s6], [sflag:s4] =	dma.local [hbm:s3], $0xF7A  }
0x26: {  	[smem:$0x3F9B] =	sst s1;
	(tag) =	ssettag s2;
	_ =	strace s9  }
0x27: {  	s1 =	sld [smem:$0x3FAB]  }
0x28: {  	s2 =	sld [smem:$0x3FAC]  }
0x29: {  	s4 =	sld [smem:$0x3FAE]  }
0x2a: {  	p0 =	seq.s32 s5, $0x0;
	s5 =	sld [smem:$0x3FAF]  }
0x2b: {  	s6 =	sld [smem:$0x3FB0]  }
0x2c: {  	s7 =	sld [smem:$0x3FB1]  }
0x2d: {  	s3 =	simm.s32 $0x108;
	s8 =	sld [smem:$0x3FB2]  }
0x2e: {  	s3 =	simm.s32 @!p0 $0x1082;
	s9 =	sld [smem:$0x3FB3]  }
0x2f: {  	lr =	sadd.s32 s0, s3;
	s0 =	sld [smem:$0x3FAA]  }
0x30: {  	s3 =	sld [smem:$0x3FAD]  }
0x31: {  	[smem:$0x3FB6] =	sst s10  }
0x32: {  	s10 =	sld [smem:$0x3FB4];
	_ =	sdelay $0x3  }
0x33: {  	p0 =	seq.s32 s10, $0x1;
	s10 =	sld [smem:$0x3FB6];
	_ =	sdelay $0x3  }
0x34: {  	[smem:$0x3FB6] =	sst s10  }
0x35: {  	s10 =	sld [smem:$0x3FB5];
	_ =	sdelay $0x3  }
0x36: {  	p1 =	seq.s32 s10, $0x1;
	s10 =	sld [smem:$0x3FB6];
	_ =	sdelay $0x3  }
0x37: {  	[smem:$0x3FB6] =	sst s10  }
0x38: {  	s10 =	sld [smem:$0x3FB7]  }
0x39: {  	_ = 	snop;
	(pc) =	sbr.ind lr, $3  }
0x3a: {  	_ = 	snop  }
0x3b: {  	_ = 	snop  }
0x3c: {  	p2 =	seq.s32 s10, $0x1;
	s10 =	sld [smem:$0x3FB6]  }
0x3d: {  	_ =	shalt  }
0x3e: {  	_ =	shalt  }
0x3f: {  	_ =	shalt  }
0x40: {  	_ =	shalt  }
0x41: {  	_ =	shalt  }
0x42: {  	_ =	shalt  }
0x43: {  	_ =	shalt  }
0x44: {  	_ =	shalt  }
0x45: {  	_ =	shalt  }
0x46: {  	_ =	shalt  }
0x47: {  	_ =	shalt  }
0x48: {  	_ =	shalt  }
0x49: {  	_ =	shalt  }
0x4a: {  	_ =	shalt  }
0x4b: {  	_ =	shalt  }
0x4c: {  	_ =	shalt  }
0x4d: {  	_ =	shalt  }
0x4e: {  	_ =	shalt  }
0x4f: {  	_ =	shalt  }
0x50: {  	_ =	shalt  }
0x51: {  	_ =	shalt  }
0x52: {  	_ =	shalt  }
0x53: {  	_ =	shalt  }
0x54: {  	_ =	shalt  }
0x55: {  	_ =	shalt  }
0x56: {  	_ =	shalt  }
0x57: {  	_ =	shalt  }
0x58: {  	_ =	shalt  }
0x59: {  	_ =	shalt  }
0x5a: {  	_ =	shalt  }
0x5b: {  	_ =	shalt  }
0x5c: {  	_ =	shalt  }
0x5d: {  	_ =	shalt  }
0x5e: {  	_ =	shalt  }
0x5f: {  	_ =	shalt  }
0x60: {  	_ =	shalt  }
0x61: {  	_ =	shalt  }
0x62: {  	_ =	shalt  }
0x63: {  	_ =	shalt  }
0x64: {  	_ =	shalt  }
0x65: {  	_ =	shalt  }
0x66: {  	_ =	shalt  }
0x67: {  	_ =	shalt  }
0x68: {  	_ =	shalt  }
0x69: {  	_ =	shalt  }
0x6a: {  	_ =	shalt  }
0x6b: {  	_ =	shalt  }
0x6c: {  	_ =	shalt  }
0x6d: {  	_ =	shalt  }
0x6e: {  	_ =	shalt  }
0x6f: {  	_ =	shalt  }
0x70: {  	_ =	shalt  }
0x71: {  	_ =	shalt  }
0x72: {  	_ =	shalt  }
0x73: {  	_ =	shalt  }
0x74: {  	_ =	shalt  }
0x75: {  	_ =	shalt  }
0x76: {  	_ =	shalt  }
0x77: {  	_ =	shalt  }
0x78: {  	_ =	shalt  }
0x79: {  	_ =	shalt  }
0x7a: {  	_ =	shalt  }
0x7b: {  	_ =	shalt  }
0x7c: {  	_ =	shalt  }
0x7d: {  	_ =	shalt  }
0x7e: {  	_ =	shalt  }
0x7f: {  	_ =	shalt  }
0x80: {  	_ =	shalt  }
0x81: {  	_ =	shalt  }
0x82: {  	_ =	shalt  }
0x83: {  	_ =	shalt  }
0x84: {  	_ =	shalt  }
0x85: {  	_ =	shalt  }
0x86: {  	_ =	shalt  }
0x87: {  	_ =	shalt  }
.Lfunc_end0:
.L_simem_size_0:
called_computation_lowered:
.L_overlay_start_0:
0x88: {  	s2 =	sld [smem:$0x3FD9]  }
0x89: {  	s3 =	sld [smem:$0x3FFE];
	_ =	sdelay $0x1  }
0x8a: {  	s1 =	srdreg.scid  }
0x8b: {  	s0 =	sand.u32 $0x1, s1  }
0x8c: {  	s17 =	sshll.u32 s0, $0xA;
	s2 =	sadd.s32 s3, s2  }
0x8d: {  	s2 =	sadd.s32 s2, s17  }
0x8e: {  	[smem:$0x3FC2] =	sst s2  }
0x8f: {  	_ = 	snop  }
0x90: {  	s2 =	sld [smem:$0x3FD0];
	(tm) =	ssettm $0x1  }
0x91: {  	s18 =	sld [smem:$0x3FFB];
	_ =	sdelay $0x3  }
0x92: {  	_ =	strace s18  }
0x93: {  	s3 =	sld [smem:$0x3FFC];
	_ =	sdelay $0x3  }
0x94: {  	_ =	strace s3  }
0x95: {  	s3 =	sld [smem:$0x3FFD];
	_ =	sdelay $0x3  }
0x96: {  	_ =	strace s3  }
0x97: {  	_ =	strace $0x8FFFFFFF  }
0x98: {  	s19 =	sld [smem:$0x3FDB];
	_ =	sdelay $0x1  }
0x99: {  	s4 =	simm.s32 $_scs_section_size  }
0x9a: {  	s5 =	simm.s32 $_size__tile_overlayer_lowered;
	s6 =	simm.s32 $_tile_overlayer_lowered  }
0x9b: {  	s22 =	simm.s32 $0x1BFF;
	s21 =	sshll.u32 s6, $0x1;
	s3 =	sadd.s32 s4, s19  }
0x9c: {  	s7 =	simm.s32 $0x0;
	s20 =	sshll.u32 s5, $0x1;
	s5 =	sadd.s32 s21, s3  }
0x9d: {  	[timem:s7], [sflag:s22] =	dma.local [hbm:s5], s20  }
0x9e: {  	_ =	swait.ge [sflag:s22], s20  }
0x9f: {  	s4 =	ssub.s32 $0x0, s20;
	[sflag:s22] =	ssyncset.done $0x0  }
0xa0: {  	[sflag:s22] =	ssyncadd.s32 s4;
	_ =	sdelay $0x1  }
0xa1: {  	s23 =	simm.s32 $0x1B8B  }
0xa2: {  	_ =	swait.ge [sflag:s23], $0x1  }
0xa3: {  	[sflag:s23] =	ssyncset.done $0x0  }
0xa4: {  	s25 =	simm.s32 $0x1B8E;
	s24 =	sld [smem:$0x3FFE];
	[sflag:s23] =	ssyncadd.s32 $0xFFFFFFFF  }
0xa5: {  	s26 =	simm.s32 $execute0_lowered;
	[smem:$0x3FD2] =	sst s25  }
0xa6: {  	s5 =	sshll.u32 s26, $0x1;
	_ =	strace $0x80000046;
	[dreg:$0x1] =	wrdreg $0xFFFFFFFF  }
0xa7: {  	s28 =	simm.s32 $_size_execute0_lowered;
	s3 =	sadd.s32 s3, s5;
	[dreg:$0x0] =	wrdreg $0x0  }
0xa8: {  	s5 =	sshll.u32 s28, $0x1;
	[dreg:$0x2] =	wrdreg s3  }
0xa9: {  	[dreg:$0x3] =	wrdreg s5  }
0xaa: {  	[dreg:$0x4] =	wrdreg $0xC0  }
0xab: {  	_ =	task [dreg:s7], $0x5FFFF  }
0xac: {  	[dreg:$0x1] =	wrdreg $0xFFFFFFFF  }
0xad: {  	[dreg:$0x0] =	wrdreg $0x60  }
0xae: {  	[dreg:$0x2] =	wrdreg s2  }
0xaf: {  	[dreg:$0x3] =	wrdreg s24  }
0xb0: {  	[dreg:$0x4] =	wrdreg $0x61000  }
0xb1: {  	[dreg:$0x5] =	wrdreg $0x9  }
0xb2: {  	_ =	task.clear_ibuf [dreg:s7], $0x6FFFF;
	_ =	strace $0x90000046  }
0xb3: {  	s29 =	simm.s32 $0x9;
	_ =	strace $0x80000048  }
0xb4: {  	_ =	swait.ge [sflag:s29], $0x1  }
0xb5: {  	[sflag:s29] =	ssyncadd.s32 $0xFFFFFFFF  }
0xb6: {  	_ =	strace $0x90000048  }
0xb7: {  	_ =	sfence  }
0xb8: {  	s30 =	sld [smem:$0x0];
	_ =	sdelay $0x2  }
0xb9: {  	s31 =	sshll.u32 s1, $0xD;
	s1 =	sshrl.u32 s1, $0x2  }
0xba: {  	s3 =	sand.u32 $0x4000, s31;
	s1 =	sadd.s32 s1, s30  }
0xbb: {  	s0 =	sor.u32 s3, s0;
	s1 =	sshll.u32 s1, $0x11  }
0xbc: {  	s0 =	sor.u32 s1, s0  }
0xbd: {  	s0 =	sadd.s32 $0x8F2B, s0  }
0xbe: {  	[sflag:s0] =	ssyncadd.remote.s32 $0x1  }
0xbf: {  	_ =	sfence.sel $0xFFFF  }
0xc0: {  	[dreg:$0x0] =	wrdreg $0xFFFFFFFF;
	(pc) =	sbr.abs _section_cstart, $3  }
0xc1: {  	[dreg:$0x1] =	wrdreg $0xFFFFFFFF  }
0xc2: {  	_ =	task.clear_ibuf [dreg:s7], $0x2FFFF;
	_ =	strace $0x9FFFFFFF  }
0xc3: {  	(tm) =	ssettm $0x7FFFFFFF  }
tec
execute0_lowered:
.L_overlay_start_1:
0x0: {  	(tag) =	ssettag $0x1  }
0x1: {  	s1 =	rddreg [dreg:$0x0]  }
0x2: {  	s5 =	rddreg [dreg:$0x1];
	s0 =	stileid.u32  }
0x3: {  	s2 =	srdreg.scid;
	s3 =	rddreg [dreg:$0x2]  }
0x4: {  	s4 =	simm.s32 $0x0;
	s19 =	simm.s32 $0x4100;
	s20 =	simm.s32 $0x2  }
0x5: {  	s21 =	simm.s32 $0x80;
	s22 =	simm.s32 $0x100;
	s6 =	smul.u32 $0x9E0, s0  }
0x6: {  	s23 =	simm.s32 $0x1;
	s24 =	simm.s32 $0x0;
	s8 =	smul.u32 $0x14000, s0  }
0x7: {  	s11 =	sand.u32 $0x1, s2;
	[smem:$0x7FF] =	sst s4;
	s9 =	smul.u32 $0x50000, s0  }
0x8: {  	s2 =	rddreg [dreg:$0x3];
	s7 =	smul.u32 $0x140000, s11;
	_ =	strace $0x80000047  }
0x9: {  	s30 =	ssub.s32 $0x2, s11;
	s17 =	smul.u32 $0x4F0, s11;
	s16 =	sadd.s32 s6, s5  }
0xa: {  	s31 =	sshrl.u32 s30, $0x1;
	s9 =	sshrl.u32 s9, $0x2;
	s29 =	sadd.s32 s8, s7  }
0xb: {  	s7 =	ssub.s32 s30, s31;
	s18 =	sadd.s32 s17, s16;
	s6 =	sshrl.u32 s29, $0x3  }
0xc: {  	s7 =	smax.u32 s7, $0x1;
	s17 =	sadd.s32 $0x1200, s18;
	s6 =	sadd.s32 s6, s5  }
0xd: {  	s18 =	sadd.s32 $0xB000, s18;
	s5 =	sadd.s32 s9, s3;
	s6 =	sadd.s32 $0x14E00, s6  }
0xe: {  	s8 =	sadd.s32 $0x2000, s5;
	s9 =	sadd.s32 $0x4000, s5;
	s10 =	sadd.s32 $0x6000, s5  }
0xf: {  	s11 =	sadd.s32 $0x8000, s5;
	s12 =	sadd.s32 $0xA000, s5;
	s13 =	sadd.s32 $0xC000, s5  }
0x10: {  	v0 =	vimm.f32 $0.0e+00;
	s14 =	sadd.s32 $0xE000, s5;
	s15 =	sadd.s32 $0x10000, s5;
	s16 =	sadd.s32 $0x12000, s5  }
.LBB2_1:
0x11: {  	s25 =	sand.u32 $0x7E00, s4  }
0x12: {  	s26 =	sand.u32 $0x70, s4;
	s28 =	sshrl.u32 s25, $0x2  }
0x13: {  	s25 =	simm.s32 $0x40;
	s28 =	sor.u32 s26, s28;
	s26 =	simm.s32 $0x0  }
.LBB2_2:
0x14: {  	p0 =	sne.s32 s25, $0x7FC0  }
0x15: {  	[tilespmem:s28+$0x4100] =	vst v0;
	s26 =	sadd.s32 $0x10, s26;
	s28 =	smov.u32 s25;
	s25 =	sadd.s32 $0x40, s25  }
.Ltmp0:
0x16: {  	(pc) =	sbr.rel @p0 .LBB2_2-.Ltmp0, $4  }
0x17: {  	_ = 	snop  }
0x18: {  	s28 =	sand.u32 $0x7E00, s28  }
0x19: {  	s29 =	sand.u32 $0x70, s26;
	s28 =	sshrl.u32 s28, $0x2  }
0x1a: {  	s28 =	sor.u32 s29, s28  }
0x1b: {  	[tilespmem:s28+$0x4100] =	vst v0  }
0x1c: {  	[spmem:s5] =	stream.linear.scatter [tilespmem:s19], [sflag:$0x2], $0x2000, $0x38;
	[tilespmem:$0x1A100] =	vst v63  }
0x1d: {  	_ =	swait.ge [sflag:s20], $0x2000  }
0x1e: {  	[sflag:s20] =	ssyncset.done $0x0  }
0x1f: {  	[sflag:s20] =	ssyncadd.s32 $0xFFFFE000  }
0x20: {  	[spmem:s8] =	stream.linear.scatter [tilespmem:s19], [sflag:$0x2], $0x2000, $0x38;
	[tilespmem:$0x1A100] =	vst v63  }
0x21: {  	_ =	swait.ge [sflag:s20], $0x2000  }
0x22: {  	[sflag:s20] =	ssyncset.done $0x0  }
0x23: {  	[sflag:s20] =	ssyncadd.s32 $0xFFFFE000  }
0x24: {  	[spmem:s9] =	stream.linear.scatter [tilespmem:s19], [sflag:$0x2], $0x2000, $0x38;
	[tilespmem:$0x1A100] =	vst v63  }
0x25: {  	_ =	swait.ge [sflag:s20], $0x2000  }
0x26: {  	[sflag:s20] =	ssyncset.done $0x0  }
0x27: {  	[sflag:s20] =	ssyncadd.s32 $0xFFFFE000  }
0x28: {  	[spmem:s10] =	stream.linear.scatter [tilespmem:s19], [sflag:$0x2], $0x2000, $0x38;
	[tilespmem:$0x1A100] =	vst v63  }
0x29: {  	_ =	swait.ge [sflag:s20], $0x2000  }
0x2a: {  	[sflag:s20] =	ssyncset.done $0x0  }
0x2b: {  	[sflag:s20] =	ssyncadd.s32 $0xFFFFE000  }
0x2c: {  	[spmem:s11] =	stream.linear.scatter [tilespmem:s19], [sflag:$0x2], $0x2000, $0x38;
	[tilespmem:$0x1A100] =	vst v63  }
0x2d: {  	_ =	swait.ge [sflag:s20], $0x2000  }
0x2e: {  	[sflag:s20] =	ssyncset.done $0x0  }
0x2f: {  	[sflag:s20] =	ssyncadd.s32 $0xFFFFE000  }
0x30: {  	[spmem:s12] =	stream.linear.scatter [tilespmem:s19], [sflag:$0x2], $0x2000, $0x38;
	[tilespmem:$0x1A100] =	vst v63  }
0x31: {  	_ =	swait.ge [sflag:s20], $0x2000  }
0x32: {  	[sflag:s20] =	ssyncset.done $0x0  }
0x33: {  	[sflag:s20] =	ssyncadd.s32 $0xFFFFE000  }
0x34: {  	[spmem:s13] =	stream.linear.scatter [tilespmem:s19], [sflag:$0x2], $0x2000, $0x38;
	[tilespmem:$0x1A100] =	vst v63  }
0x35: {  	_ =	swait.ge [sflag:s20], $0x2000  }
0x36: {  	[sflag:s20] =	ssyncset.done $0x0  }
0x37: {  	[sflag:s20] =	ssyncadd.s32 $0xFFFFE000  }
0x38: {  	[spmem:s14] =	stream.linear.scatter [tilespmem:s19], [sflag:$0x2], $0x2000, $0x38;
	[tilespmem:$0x1A100] =	vst v63  }
0x39: {  	_ =	swait.ge [sflag:s20], $0x2000  }
0x3a: {  	[sflag:s20] =	ssyncset.done $0x0  }
0x3b: {  	[sflag:s20] =	ssyncadd.s32 $0xFFFFE000  }
0x3c: {  	[spmem:s15] =	stream.linear.scatter [tilespmem:s19], [sflag:$0x2], $0x2000, $0x38;
	[tilespmem:$0x1A100] =	vst v63  }
0x3d: {  	_ =	swait.ge [sflag:s20], $0x2000  }
0x3e: {  	[sflag:s20] =	ssyncset.done $0x0  }
0x3f: {  	[sflag:s20] =	ssyncadd.s32 $0xFFFFE000  }
0x40: {  	[spmem:s16] =	stream.linear.scatter [tilespmem:s19], [sflag:$0x2], $0x2000, $0x38;
	[tilespmem:$0x1A100] =	vst v63  }
0x41: {  	_ =	swait.ge [sflag:s20], $0x2000  }
0x42: {  	[sflag:s20] =	ssyncset.done $0x0  }
0x43: {  	[sflag:s20] =	ssyncadd.s32 $0xFFFFE000  }
0x44: {  	s25 =	sadd.s32 $0x0, s18;
	[bflag:$0x0] =	sbarrier.arrive $0xFFFF  }
0x45: {  	[tilespmem:s4], [sflag:$0x2] =	stream.linear.gather [hbm4b:s25+s4], $0x80, $0x38;
	[tilespmem:$0x1A100] =	vst v63  }
0x46: {  	_ =	swait.ge [sflag:s20], $0x80  }
0x47: {  	[sflag:s20] =	ssyncset.done $0x0  }
0x48: {  	s31 =	sadd.s32 $0x0, s17;
	[sflag:s20] =	ssyncadd.s32 $0xFFFFFF80  }
0x49: {  	[tilespmem:s21], [sflag:$0x2] =	stream.linear.gather [hbm4b:s31+s4], $0x80, $0x38;
	[tilespmem:$0x1A100] =	vst v63  }
0x4a: {  	_ =	swait.ge [sflag:s20], $0x80  }
0x4b: {  	[sflag:s20] =	ssyncset.done $0x0  }
0x4c: {  	[sflag:s20] =	ssyncadd.s32 $0xFFFFFF80  }
0x4d: {  	[tilespmem:s22], [sflag:$0x1] =	stream.indirect.gather [hbm4b:s1+s21], $0x80, s4, s21, $0xb8;
	[tilespmem:$0x1A100] =	vst v63  }
0x4e: {  	_ =	swait.ge [sflag:s23], $0x4000  }
0x4f: {  	[sflag:s23] =	ssyncset.done $0x0  }
0x50: {  	[sflag:s23] =	ssyncadd.s32 $0xFFFFC000  }
0x51: {  	[spmem:s3] =	stream.indirect.scatter.add.f32 [tilespmem:s22], [sflag:$0x2], $0x80, s21, s21, $0xb8;
	[tilespmem:$0x1A100] =	vst v63  }
0x52: {  	_ =	swait.ge [sflag:s20], $0x4000  }
0x53: {  	s26 =	simm.s32 $0x20;
	s25 =	simm.s32 $0x10;
	[sflag:s20] =	ssyncset.done $0x0  }
.LBB2_4:
0x54: {  	s28 =	sadd.s32 s25, s18  }
0x55: {  	[sflag:s20] =	ssyncadd.s32 $0xFFFFC000;
	s29 =	smov.u32 s26;
	s30 =	sadd.s32 $0x10, s26  }
0x56: {  	[tilespmem:s4], [sflag:$0x2] =	stream.linear.gather [hbm4b:s28+s4], $0x80, $0x38;
	[tilespmem:$0x1A100] =	vst v63  }
0x57: {  	p0 =	sne.s32 s26, $0x4E0;
	_ =	swait.ge [sflag:s20], $0x80  }
0x58: {  	[sflag:s20] =	ssyncset.done $0x0  }
0x59: {  	s26 =	sadd.s32 s25, s17;
	s25 =	smov.u32 s29;
	[sflag:s20] =	ssyncadd.s32 $0xFFFFFF80  }
0x5a: {  	[tilespmem:s21], [sflag:$0x2] =	stream.linear.gather [hbm4b:s26+s4], $0x80, $0x38;
	[tilespmem:$0x1A100] =	vst v63  }
0x5b: {  	_ =	swait.ge [sflag:s20], $0x80  }
0x5c: {  	[sflag:s20] =	ssyncset.done $0x0  }
0x5d: {  	[sflag:s20] =	ssyncadd.s32 $0xFFFFFF80  }
0x5e: {  	[tilespmem:s22], [sflag:$0x1] =	stream.indirect.gather [hbm4b:s1+s21], $0x80, s4, s21, $0xb8;
	[tilespmem:$0x1A100] =	vst v63  }
0x5f: {  	_ =	swait.ge [sflag:s23], $0x4000  }
.Ltmp1:
0x60: {  	[sflag:s23] =	ssyncset.done $0x0;
	(pc) =	sbr.rel @p0 .LBB2_4-.Ltmp1, $4  }
0x61: {  	[sflag:s23] =	ssyncadd.s32 $0xFFFFC000  }
0x62: {  	[spmem:s3] =	stream.indirect.scatter.add.f32 [tilespmem:s22], [sflag:$0x2], $0x80, s21, s21, $0xb8;
	[tilespmem:$0x1A100] =	vst v63  }
0x63: {  	_ =	swait.ge [sflag:s20], $0x4000  }
0x64: {  	s26 =	smov.u32 s30;
	[sflag:s20] =	ssyncset.done $0x0  }
0x65: {  	s26 =	sadd.s32 s25, s18;
	[sflag:s20] =	ssyncadd.s32 $0xFFFFC000  }
0x66: {  	[tilespmem:s4], [sflag:$0x2] =	stream.linear.gather [hbm4b:s26+s4], $0x80, $0x38;
	[tilespmem:$0x1A100] =	vst v63  }
0x67: {  	_ =	swait.ge [sflag:s20], $0x80  }
0x68: {  	[sflag:s20] =	ssyncset.done $0x0  }
0x69: {  	s29 =	sadd.s32 s25, s17;
	[sflag:s20] =	ssyncadd.s32 $0xFFFFFF80  }
0x6a: {  	[tilespmem:s21], [sflag:$0x2] =	stream.linear.gather [hbm4b:s29+s4], $0x80, $0x38;
	[tilespmem:$0x1A100] =	vst v63  }
0x6b: {  	_ =	swait.ge [sflag:s20], $0x80  }
0x6c: {  	[sflag:s20] =	ssyncset.done $0x0  }
0x6d: {  	[sflag:s20] =	ssyncadd.s32 $0xFFFFFF80  }
0x6e: {  	[tilespmem:s22], [sflag:$0x1] =	stream.indirect.gather [hbm4b:s1+s21], $0x80, s4, s21, $0xb8;
	[tilespmem:$0x1A100] =	vst v63  }
0x6f: {  	_ =	swait.ge [sflag:s23], $0x4000  }
0x70: {  	[sflag:s23] =	ssyncset.done $0x0  }
0x71: {  	[sflag:s23] =	ssyncadd.s32 $0xFFFFC000  }
0x72: {  	[spmem:s3] =	stream.indirect.scatter.add.f32 [tilespmem:s22], [sflag:$0x2], $0x80, s21, s21, $0xb8;
	[tilespmem:$0x1A100] =	vst v63  }
0x73: {  	_ =	swait.ge [sflag:s20], $0x4000  }
0x74: {  	s30 =	sshll.u32 s0, $0x6;
	s24 =	sadd.s32 $0x1, s24;
	[sflag:s20] =	ssyncset.done $0x0  }
0x75: {  	s31 =	sshrl.u32 s5, $0x3;
	p0 =	sne.s32 s24, s7;
	[sflag:s20] =	ssyncadd.s32 $0xFFFFC000  }
.Ltmp2:
0x76: {  	s25 =	sor.u32 $0x1C02, s30;
	[bflag:$0x0] =	sbarrier.arrive $0xFFFF;
	(pc) =	sbr.rel @p0 .LBB2_1-.Ltmp2, $4  }
0x77: {  	[hbm:s6], [sflag:s25] =	dma.local [spmem:s31], $0x2800  }
0x78: {  	_ =	swait.ge [sflag:s20], $0x2800  }
0x79: {  	[sflag:s20] =	ssyncset.done $0x0  }
0x7a: {  	[sflag:s20] =	ssyncadd.s32 $0xFFFFD800  }
0x7b: {  	_ =	sfence.sel $0x180000  }
0x7c: {  	[bflag:$0x0] =	sbarrier.arrive $0xFFFF  }
0x7d: {  	p0 =	sne.s32 s0, $0x0;
	_ =	strace $0x90000047  }
0x7e: {  	s0 =	sadd.s32 @!p0 $0x100000, s2;
	[bflag:$0x2] =	sbarrier.arrive $0xFFFF  }
0x7f: {  	[sflag:s0] =	ssyncadd.tile.s32 @!p0 $0x1;
	_ =	shalt  }
.Lfunc_end2:
_tile_overlayer_lowered:
.L_overlay_start_2:
0x80: {  	(tag) =	ssettag $0x2  }
0x81: {  	s0 =	rddreg [dreg:$0x0];
	s2 =	stileid.u32  }
0x82: {  	s1 =	rddreg [dreg:$0x1];
	p0 =	sne.s32 s2, $0x0  }
0x83: {  	s3 =	rddreg [dreg:$0x2];
	[bflag:$0x3] =	sbarrier.arrive $0xFFFF;
	s2 =	simm.s32 @!p0 $0x1C02  }
0x84: {  	[timem:s3], [sflag:s2] =	dma.local @!p0 [hbm:s0], s1  }
0x85: {  	s0 =	simm.s32 @!p0 $0x2  }
0x86: {  	_ =	swait.ge @!p0 [sflag:s0], s1  }
0x87: {  	s1 =	ssub.s32 @!p0 $0x0, s1;
	[sflag:s0] =	ssyncset.done @!p0 $0x0  }
0x88: {  	[sflag:s0] =	ssyncadd.s32 @!p0 s1  }
0x89: {  	[bflag:$0x3] =	sbarrier.arrive $0xFFFF  }
0x8a: {  	_ =	shalt  }

</sc_bundles>
